<compile_context>
chip_gen: v7x
topology: tpu7x:2x2x1
jax: 0.10.2.dev20260603
libtpu: 0.0.44.dev20260713+nightly
codegen_flags: <defaults>
</compile_context>

<pallas_src>
import functools

import jax
import jax.numpy as jnp
from jax import lax
from jax.experimental import pallas as pl
from jax.experimental.pallas import tpu as pltpu
from jax.experimental.pallas import tpu_sc as plsc

_NBUF = 2


def _make_lookup(B: int, D: int, NC: int, NS: int, C: int):
    NW = NC * NS
    b_per_w = B // NW
    n_chunks = b_per_w // C
    n_vecs = D // 16
    assert n_chunks % _NBUF == 0 and n_chunks >= 2 * _NBUF
    mesh = plsc.VectorSubcoreMesh(core_axis_name="c", subcore_axis_name="s")

    @functools.partial(
        pl.kernel,
        mesh=mesh,
        out_type=jax.ShapeDtypeStruct((B, D), jnp.float32),
        scratch_types=[
            pltpu.VMEM((b_per_w + 16,), jnp.int32),
            pltpu.VMEM((16, D), jnp.float32),
        ] + [pltpu.VMEM((C, D), jnp.float32) for _ in range(_NBUF)]
          + [pltpu.SemaphoreType.DMA for _ in range(_NBUF)],
    )
    def lookup_kernel(table_hbm, idx_hbm, out_hbm, idx_v, table_v,
                      *bufs_sems):
        rows = bufs_sems[:_NBUF]
        semo = bufs_sems[_NBUF:]
        wid = lax.axis_index("s") * NC + lax.axis_index("c")
        base = wid * b_per_w

        tcopy = pltpu.async_copy(table_hbm, table_v, semo[0])
        icopy = pltpu.async_copy(idx_hbm.at[pl.ds(base, b_per_w)],
                                 idx_v.at[pl.ds(0, b_per_w)], semo[1])
        tcopy.wait()
        icopy.wait()

        def fill(g, b):
            buf = rows[b]

            @plsc.parallel_loop(0, C, unroll=2)
            def row(j):
                r = idx_v[pl.ds(g * C + j, 16)][0]
                vals = [table_v[r, pl.ds(16 * d, 16)]
                        for d in range(n_vecs)]
                for d in range(n_vecs):
                    buf[j, pl.ds(16 * d, 16)] = vals[d]

        def start_out(g, b):
            pltpu.async_copy(rows[b], out_hbm.at[pl.ds(base + g * C, C)],
                             semo[b])

        def wait_out(g, b):
            pltpu.make_async_copy(rows[b],
                                  out_hbm.at[pl.ds(base + g * C, C)],
                                  semo[b]).wait()

        def body(t, carry):
            for b in range(_NBUF):
                g = _NBUF * t + b

                @pl.when(g >= _NBUF)
                def _():
                    wait_out(g, b)

                fill(g, b)
                start_out(g, b)
            return carry

        lax.fori_loop(0, n_chunks // _NBUF, body, 0)

        for b in range(_NBUF):
            wait_out(n_chunks - _NBUF + b, b)

    return lookup_kernel


def kernel(x, table):
    B = x.shape[0] * x.shape[1]
    D = table.shape[1]
    info = plsc.get_sparse_core_info()
    NC, NS = info.num_cores, info.num_subcores
    lookup = _make_lookup(B, D, NC, NS, C=64)
    out = lookup(table, x.reshape(B).astype(jnp.int32))
    return out.reshape(x.shape[0], x.shape[1], D)

# --- scband reference (transcript-rebuilt; emitter-appended) ---
"""Pipeline reference for scband-positional-encoding-83476984365360 (READ-ONLY COPY).

The authoritative reference and input builder live on the scoring server;
editing this copy changes nothing except your own understanding.
"""

import jax, jax.numpy as jnp
import numpy as np


def setup_inputs(seed: int = 0) -> dict:
    key = jax.random.key(seed)
    k1, k2 = jax.random.split(key)
    x = jax.random.randint(k1, (4096, 16), 0, 16, dtype=jnp.int64) if jax.config.jax_enable_x64 else jax.random.randint(k1, (4096, 16), 0, 16, dtype=jnp.int32)
    table = jax.random.normal(k2, (16, 768), dtype=jnp.float32)
    return {"x": x, "table": table}


def reference(x, table):
    # nn.Embedding(16, 768) lookup: gather rows of table by index
    return jnp.take(table, x, axis=0)

if __name__ == "__main__":
    import jax
    _d = setup_inputs()
    print(jax.jit(kernel)(*tuple(_d.values())))

</pallas_src>

<mosaic_0001>
#map = affine_map<(d0, d1) -> (0, 0)>
#map1 = affine_map<(d0, d1) -> (0)>
module attributes {stable_mosaic.version = 14 : i64} {
  func.func @lookup_kernel(%arg0: i32, %arg1: i32, %arg2: memref<16x768xf32, #tpu.memory_space<hbm>>, %arg3: memref<65536xi32, #tpu.memory_space<hbm>>, %arg4: memref<65536x768xf32, #tpu.memory_space<hbm>>, %arg5: memref<2064xi32, #tpu.memory_space<vmem>>, %arg6: memref<16x768xf32, #tpu.memory_space<vmem>>, %arg7: memref<64x768xf32, #tpu.memory_space<vmem>>, %arg8: memref<64x768xf32, #tpu.memory_space<vmem>>, %arg9: memref<!tpu.dma_semaphore, #tpu.memory_space<semaphore_mem>>, %arg10: memref<!tpu.dma_semaphore, #tpu.memory_space<semaphore_mem>>) attributes {dimension_semantics = [#tpu.dimension_semantics<core_parallel>, #tpu.dimension_semantics<subcore_parallel>], iteration_bounds = array<i64: 2, 16>, scalar_prefetch = 0 : i64, scratch_operands = 6 : i64, tpu.core_type = #tpu.core_type<sc_vector_subcore>, window_params = [{transform_indices = #map}, {transform_indices = #map1}, {transform_indices = #map}]} {
    %mul3A = arith.constant 2 : i32
    %mul3A_0 = arith.muli %arg1, %mul3A : i32
    %add3A = arith.addi %mul3A_0, %arg0 : i32
    %mul3A_1 = arith.constant 2048 : i32
    %mul3A_2 = arith.muli %add3A, %mul3A_1 : i32
    tpu.enqueue_dma source(%arg2 : memref<16x768xf32, #tpu.memory_space<hbm>>) target(%arg6 : memref<16x768xf32, #tpu.memory_space<vmem>>) target_semaphore(%arg9 : memref<!tpu.dma_semaphore, #tpu.memory_space<semaphore_mem>>)
    %dma_start3A = arith.constant 0 : i32
    %dma_start3A_3 = tpu.memref_slice %arg5[%dma_start3A] : memref<2064xi32, #tpu.memory_space<vmem>> -> memref<2048xi32, #tpu.memory_space<vmem>>
    %dma_start3A_4 = tpu.memref_slice %arg3[%mul3A_2] : memref<65536xi32, #tpu.memory_space<hbm>> -> memref<2048xi32, #tpu.memory_space<hbm>>
    %dma_start3A_5 = arith.constant 0 : i32
    %dma_start3A_6 = tpu.memref_slice %arg5[%dma_start3A_5] : memref<2064xi32, #tpu.memory_space<vmem>> -> memref<2048xi32, #tpu.memory_space<vmem>>
    %dma_start3A_7 = tpu.memref_slice %arg3[%mul3A_2] : memref<65536xi32, #tpu.memory_space<hbm>> -> memref<2048xi32, #tpu.memory_space<hbm>>
    tpu.enqueue_dma source(%dma_start3A_7 : memref<2048xi32, #tpu.memory_space<hbm>>) target(%dma_start3A_6 : memref<2048xi32, #tpu.memory_space<vmem>>) target_semaphore(%arg10 : memref<!tpu.dma_semaphore, #tpu.memory_space<semaphore_mem>>)
    tpu.wait_dma2 semaphore(%arg9 : memref<!tpu.dma_semaphore, #tpu.memory_space<semaphore_mem>>) src(%arg2 : memref<16x768xf32, #tpu.memory_space<hbm>>) dst(%arg6 : memref<16x768xf32, #tpu.memory_space<vmem>>)
    %dma_wait3A = arith.constant 0 : i32
    %dma_wait3A_8 = tpu.memref_slice %arg5[%dma_wait3A] : memref<2064xi32, #tpu.memory_space<vmem>> -> memref<2048xi32, #tpu.memory_space<vmem>>
    %dma_wait3A_9 = tpu.memref_slice %arg3[%mul3A_2] : memref<65536xi32, #tpu.memory_space<hbm>> -> memref<2048xi32, #tpu.memory_space<hbm>>
    %dma_wait3A_10 = arith.constant 0 : i32
    %dma_wait3A_11 = tpu.memref_slice %arg5[%dma_wait3A_10] : memref<2064xi32, #tpu.memory_space<vmem>> -> memref<2048xi32, #tpu.memory_space<vmem>>
    %dma_wait3A_12 = tpu.memref_slice %arg3[%mul3A_2] : memref<65536xi32, #tpu.memory_space<hbm>> -> memref<2048xi32, #tpu.memory_space<hbm>>
    tpu.wait_dma2 semaphore(%arg10 : memref<!tpu.dma_semaphore, #tpu.memory_space<semaphore_mem>>) src(%dma_wait3A_12 : memref<2048xi32, #tpu.memory_space<hbm>>) dst(%dma_wait3A_11 : memref<2048xi32, #tpu.memory_space<vmem>>)
    %scan3A = arith.constant 0 : i32
    %scan3A_13 = arith.constant 0 : i32
    %scan3A_14 = arith.constant 16 : i32
    %scan3A_15 = arith.addi %scan3A_13, %scan3A_14 : i32
    %scan3A_16 = arith.constant 1 : i32
    scf.for %scan3A_30 = %scan3A_13 to %scan3A_15 step %scan3A_16  : i32 {
      %mul3A_31 = arith.constant 2 : i32
      %mul3A_32 = arith.muli %mul3A_31, %scan3A_30 : i32
      %add3A_33 = arith.constant 0 : i32
      %add3A_34 = arith.addi %mul3A_32, %add3A_33 : i32
      %ge3A = arith.constant 2 : i32
      %ge3A_35 = arith.cmpi sge, %add3A_34, %ge3A : i32
      %convert_element_type3A = arith.extui %ge3A_35 : i1 to i32
      %cond3A = arith.constant 0 : i32
      %cond3A_36 = arith.cmpi ne, %convert_element_type3A, %cond3A : i32
      scf.if %cond3A_36 {
        %mul3A_65 = arith.constant 64 : i32
        %mul3A_66 = arith.muli %add3A_34, %mul3A_65 : i32
        %add3A_67 = arith.addi %mul3A_2, %mul3A_66 : i32
        %dma_wait3A_68 = arith.constant 0 : i32
        %dma_wait3A_69 = tpu.memref_slice %arg4[%add3A_67, %dma_wait3A_68] : memref<65536x768xf32, #tpu.memory_space<hbm>> -> memref<64x768xf32, #tpu.memory_space<hbm>>
        %dma_wait3A_70 = arith.constant 0 : i32
        %dma_wait3A_71 = tpu.memref_slice %arg4[%add3A_67, %dma_wait3A_70] : memref<65536x768xf32, #tpu.memory_space<hbm>> -> memref<64x768xf32, #tpu.memory_space<hbm>>
        tpu.wait_dma2 semaphore(%arg9 : memref<!tpu.dma_semaphore, #tpu.memory_space<semaphore_mem>>) src(%arg7 : memref<64x768xf32, #tpu.memory_space<vmem>>) dst(%dma_wait3A_71 : memref<64x768xf32, #tpu.memory_space<hbm>>)
      } else {
      }
      %parallel_loop3A = arith.constant 0 : i32
      %parallel_loop3A_37 = arith.constant 64 : i32
      %parallel_loop3A_38 = arith.constant 1 : i32
      scf.for %parallel_loop3A_65 = %parallel_loop3A to %parallel_loop3A_37 step %parallel_loop3A_38  : i32 {
        %parallel_loop3A_66 = arith.constant 64 : i32
        %parallel_loop3A_67 = arith.muli %add3A_34, %parallel_loop3A_66 : i32
        %parallel_loop3A_68 = arith.addi %parallel_loop3A_67, %parallel_loop3A_65 : i32
        %parallel_loop3A_69 = arith.index_cast %parallel_loop3A_68 : i32 to index
        %parallel_loop3A_70 = tpu.vector_load %arg5[%parallel_loop3A_69] {strides = array<i32>} : memref<2064xi32, #tpu.memory_space<vmem>>, vector<16xi32>,
        %parallel_loop3A_71 = vector.shape_cast %parallel_loop3A_70 : vector<16xi32> to vector<16xi32>
        %parallel_loop3A_72 = vector.extract_strided_slice %parallel_loop3A_71 {offsets = [0], sizes = [1], strides = [1]} : vector<16xi32> to vector<1xi32>
        %parallel_loop3A_73 = vector.extract %parallel_loop3A_72[0] : i32 from vector<1xi32>
        %parallel_loop3A_74 = arith.index_cast %parallel_loop3A_73 : i32 to index
        %parallel_loop3A_75 = arith.constant 0 : index
        %parallel_loop3A_76 = tpu.vector_load %arg6[%parallel_loop3A_74, %parallel_loop3A_75] {strides = array<i32>} : memref<16x768xf32, #tpu.memory_space<vmem>>, vector<1x16xf32>,
        %parallel_loop3A_77 = vector.shape_cast %parallel_loop3A_76 : vector<1x16xf32> to vector<16xf32>
        %parallel_loop3A_78 = arith.index_cast %parallel_loop3A_73 : i32 to index
        %parallel_loop3A_79 = arith.constant 16 : index
        %parallel_loop3A_80 = tpu.vector_load %arg6[%parallel_loop3A_78, %parallel_loop3A_79] {strides = array<i32>} : memref<16x768xf32, #tpu.memory_space<vmem>>, vector<1x16xf32>,
        %parallel_loop3A_81 = vector.shape_cast %parallel_loop3A_80 : vector<1x16xf32> to vector<16xf32>
        %parallel_loop3A_82 = arith.index_cast %parallel_loop3A_73 : i32 to index
        %parallel_loop3A_83 = arith.constant 32 : index
        %parallel_loop3A_84 = tpu.vector_load %arg6[%parallel_loop3A_82, %parallel_loop3A_83] {strides = array<i32>} : memref<16x768xf32, #tpu.memory_space<vmem>>, vector<1x16xf32>,
        %parallel_loop3A_85 = vector.shape_cast %parallel_loop3A_84 : vector<1x16xf32> to vector<16xf32>
        %parallel_loop3A_86 = arith.index_cast %parallel_loop3A_73 : i32 to index
        %parallel_loop3A_87 = arith.constant 48 : index
        %parallel_loop3A_88 = tpu.vector_load %arg6[%parallel_loop3A_86, %parallel_loop3A_87] {strides = array<i32>} : memref<16x768xf32, #tpu.memory_space<vmem>>, vector<1x16xf32>,
        %parallel_loop3A_89 = vector.shape_cast %parallel_loop3A_88 : vector<1x16xf32> to vector<16xf32>
        %parallel_loop3A_90 = arith.index_cast %parallel_loop3A_73 : i32 to index
        %parallel_loop3A_91 = arith.constant 64 : index
        %parallel_loop3A_92 = tpu.vector_load %arg6[%parallel_loop3A_90, %parallel_loop3A_91] {strides = array<i32>} : memref<16x768xf32, #tpu.memory_space<vmem>>, vector<1x16xf32>,
        %parallel_loop3A_93 = vector.shape_cast %parallel_loop3A_92 : vector<1x16xf32> to vector<16xf32>
        %parallel_loop3A_94 = arith.index_cast %parallel_loop3A_73 : i32 to index
        %parallel_loop3A_95 = arith.constant 80 : index
        %parallel_loop3A_96 = tpu.vector_load %arg6[%parallel_loop3A_94, %parallel_loop3A_95] {strides = array<i32>} : memref<16x768xf32, #tpu.memory_space<vmem>>, vector<1x16xf32>,
        %parallel_loop3A_97 = vector.shape_cast %parallel_loop3A_96 : vector<1x16xf32> to vector<16xf32>
        %parallel_loop3A_98 = arith.index_cast %parallel_loop3A_73 : i32 to index
        %parallel_loop3A_99 = arith.constant 96 : index
        %parallel_loop3A_100 = tpu.vector_load %arg6[%parallel_loop3A_98, %parallel_loop3A_99] {strides = array<i32>} : memref<16x768xf32, #tpu.memory_space<vmem>>, vector<1x16xf32>,
        %parallel_loop3A_101 = vector.shape_cast %parallel_loop3A_100 : vector<1x16xf32> to vector<16xf32>
        %parallel_loop3A_102 = arith.index_cast %parallel_loop3A_73 : i32 to index
        %parallel_loop3A_103 = arith.constant 112 : index
        %parallel_loop3A_104 = tpu.vector_load %arg6[%parallel_loop3A_102, %parallel_loop3A_103] {strides = array<i32>} : memref<16x768xf32, #tpu.memory_space<vmem>>, vector<1x16xf32>,
        %parallel_loop3A_105 = vector.shape_cast %parallel_loop3A_104 : vector<1x16xf32> to vector<16xf32>
        %parallel_loop3A_106 = arith.index_cast %parallel_loop3A_73 : i32 to index
        %parallel_loop3A_107 = arith.constant 128 : index
        %parallel_loop3A_108 = tpu.vector_load %arg6[%parallel_loop3A_106, %parallel_loop3A_107] {strides = array<i32>} : memref<16x768xf32, #tpu.memory_space<vmem>>, vector<1x16xf32>,
        %parallel_loop3A_109 = vector.shape_cast %parallel_loop3A_108 : vector<1x16xf32> to vector<16xf32>
        %parallel_loop3A_110 = arith.index_cast %parallel_loop3A_73 : i32 to index
        %parallel_loop3A_111 = arith.constant 144 : index
        %parallel_loop3A_112 = tpu.vector_load %arg6[%parallel_loop3A_110, %parallel_loop3A_111] {strides = array<i32>} : memref<16x768xf32, #tpu.memory_space<vmem>>, vector<1x16xf32>,
        %parallel_loop3A_113 = vector.shape_cast %parallel_loop3A_112 : vector<1x16xf32> to vector<16xf32>
        %parallel_loop3A_114 = arith.index_cast %parallel_loop3A_73 : i32 to index
        %parallel_loop3A_115 = arith.constant 160 : index
        %parallel_loop3A_116 = tpu.vector_load %arg6[%parallel_loop3A_114, %parallel_loop3A_115] {strides = array<i32>} : memref<16x768xf32, #tpu.memory_space<vmem>>, vector<1x16xf32>,
        %parallel_loop3A_117 = vector.shape_cast %parallel_loop3A_116 : vector<1x16xf32> to vector<16xf32>
        %parallel_loop3A_118 = arith.index_cast %parallel_loop3A_73 : i32 to index
        %parallel_loop3A_119 = arith.constant 176 : index
        %parallel_loop3A_120 = tpu.vector_load %arg6[%parallel_loop3A_118, %parallel_loop3A_119] {strides = array<i32>} : memref<16x768xf32, #tpu.memory_space<vmem>>, vector<1x16xf32>,
        %parallel_loop3A_121 = vector.shape_cast %parallel_loop3A_120 : vector<1x16xf32> to vector<16xf32>
        %parallel_loop3A_122 = arith.index_cast %parallel_loop3A_73 : i32 to index
        %parallel_loop3A_123 = arith.constant 192 : index
        %parallel_loop3A_124 = tpu.vector_load %arg6[%parallel_loop3A_122, %parallel_loop3A_123] {strides = array<i32>} : memref<16x768xf32, #tpu.memory_space<vmem>>, vector<1x16xf32>,
        %parallel_loop3A_125 = vector.shape_cast %parallel_loop3A_124 : vector<1x16xf32> to vector<16xf32>
        %parallel_loop3A_126 = arith.index_cast %parallel_loop3A_73 : i32 to index
        %parallel_loop3A_127 = arith.constant 208 : index
        %parallel_loop3A_128 = tpu.vector_load %arg6[%parallel_loop3A_126, %parallel_loop3A_127] {strides = array<i32>} : memref<16x768xf32, #tpu.memory_space<vmem>>, vector<1x16xf32>,
        %parallel_loop3A_129 = vector.shape_cast %parallel_loop3A_128 : vector<1x16xf32> to vector<16xf32>
        %parallel_loop3A_130 = arith.index_cast %parallel_loop3A_73 : i32 to index
        %parallel_loop3A_131 = arith.constant 224 : index
        %parallel_loop3A_132 = tpu.vector_load %arg6[%parallel_loop3A_130, %parallel_loop3A_131] {strides = array<i32>} : memref<16x768xf32, #tpu.memory_space<vmem>>, vector<1x16xf32>,
        %parallel_loop3A_133 = vector.shape_cast %parallel_loop3A_132 : vector<1x16xf32> to vector<16xf32>
        %parallel_loop3A_134 = arith.index_cast %parallel_loop3A_73 : i32 to index
        %parallel_loop3A_135 = arith.constant 240 : index
        %parallel_loop3A_136 = tpu.vector_load %arg6[%parallel_loop3A_134, %parallel_loop3A_135] {strides = array<i32>} : memref<16x768xf32, #tpu.memory_space<vmem>>, vector<1x16xf32>,
        %parallel_loop3A_137 = vector.shape_cast %parallel_loop3A_136 : vector<1x16xf32> to vector<16xf32>
        %parallel_loop3A_138 = arith.index_cast %parallel_loop3A_73 : i32 to index
        %parallel_loop3A_139 = arith.constant 256 : index
        %parallel_loop3A_140 = tpu.vector_load %arg6[%parallel_loop3A_138, %parallel_loop3A_139] {strides = array<i32>} : memref<16x768xf32, #tpu.memory_space<vmem>>, vector<1x16xf32>,
        %parallel_loop3A_141 = vector.shape_cast %parallel_loop3A_140 : vector<1x16xf32> to vector<16xf32>
        %parallel_loop3A_142 = arith.index_cast %parallel_loop3A_73 : i32 to index
        %parallel_loop3A_143 = arith.constant 272 : index
        %parallel_loop3A_144 = tpu.vector_load %arg6[%parallel_loop3A_142, %parallel_loop3A_143] {strides = array<i32>} : memref<16x768xf32, #tpu.memory_space<vmem>>, vector<1x16xf32>,
        %parallel_loop3A_145 = vector.shape_cast %parallel_loop3A_144 : vector<1x16xf32> to vector<16xf32>
        %parallel_loop3A_146 = arith.index_cast %parallel_loop3A_73 : i32 to index
        %parallel_loop3A_147 = arith.constant 288 : index
        %parallel_loop3A_148 = tpu.vector_load %arg6[%parallel_loop3A_146, %parallel_loop3A_147] {strides = array<i32>} : memref<16x768xf32, #tpu.memory_space<vmem>>, vector<1x16xf32>,
        %parallel_loop3A_149 = vector.shape_cast %parallel_loop3A_148 : vector<1x16xf32> to vector<16xf32>
        %parallel_loop3A_150 = arith.index_cast %parallel_loop3A_73 : i32 to index
        %parallel_loop3A_151 = arith.constant 304 : index
        %parallel_loop3A_152 = tpu.vector_load %arg6[%parallel_loop3A_150, %parallel_loop3A_151] {strides = array<i32>} : memref<16x768xf32, #tpu.memory_space<vmem>>, vector<1x16xf32>,
        %parallel_loop3A_153 = vector.shape_cast %parallel_loop3A_152 : vector<1x16xf32> to vector<16xf32>
        %parallel_loop3A_154 = arith.index_cast %parallel_loop3A_73 : i32 to index
        %parallel_loop3A_155 = arith.constant 320 : index
        %parallel_loop3A_156 = tpu.vector_load %arg6[%parallel_loop3A_154, %parallel_loop3A_155] {strides = array<i32>} : memref<16x768xf32, #tpu.memory_space<vmem>>, vector<1x16xf32>,
        %parallel_loop3A_157 = vector.shape_cast %parallel_loop3A_156 : vector<1x16xf32> to vector<16xf32>
        %parallel_loop3A_158 = arith.index_cast %parallel_loop3A_73 : i32 to index
        %parallel_loop3A_159 = arith.constant 336 : index
        %parallel_loop3A_160 = tpu.vector_load %arg6[%parallel_loop3A_158, %parallel_loop3A_159] {strides = array<i32>} : memref<16x768xf32, #tpu.memory_space<vmem>>, vector<1x16xf32>,
        %parallel_loop3A_161 = vector.shape_cast %parallel_loop3A_160 : vector<1x16xf32> to vector<16xf32>
        %parallel_loop3A_162 = arith.index_cast %parallel_loop3A_73 : i32 to index
        %parallel_loop3A_163 = arith.constant 352 : index
        %parallel_loop3A_164 = tpu.vector_load %arg6[%parallel_loop3A_162, %parallel_loop3A_163] {strides = array<i32>} : memref<16x768xf32, #tpu.memory_space<vmem>>, vector<1x16xf32>,
        %parallel_loop3A_165 = vector.shape_cast %parallel_loop3A_164 : vector<1x16xf32> to vector<16xf32>
        %parallel_loop3A_166 = arith.index_cast %parallel_loop3A_73 : i32 to index
        %parallel_loop3A_167 = arith.constant 368 : index
        %parallel_loop3A_168 = tpu.vector_load %arg6[%parallel_loop3A_166, %parallel_loop3A_167] {strides = array<i32>} : memref<16x768xf32, #tpu.memory_space<vmem>>, vector<1x16xf32>,
        %parallel_loop3A_169 = vector.shape_cast %parallel_loop3A_168 : vector<1x16xf32> to vector<16xf32>
        %parallel_loop3A_170 = arith.index_cast %parallel_loop3A_73 : i32 to index
        %parallel_loop3A_171 = arith.constant 384 : index
        %parallel_loop3A_172 = tpu.vector_load %arg6[%parallel_loop3A_170, %parallel_loop3A_171] {strides = array<i32>} : memref<16x768xf32, #tpu.memory_space<vmem>>, vector<1x16xf32>,
        %parallel_loop3A_173 = vector.shape_cast %parallel_loop3A_172 : vector<1x16xf32> to vector<16xf32>
        %parallel_loop3A_174 = arith.index_cast %parallel_loop3A_73 : i32 to index
        %parallel_loop3A_175 = arith.constant 400 : index
        %parallel_loop3A_176 = tpu.vector_load %arg6[%parallel_loop3A_174, %parallel_loop3A_175] {strides = array<i32>} : memref<16x768xf32, #tpu.memory_space<vmem>>, vector<1x16xf32>,
        %parallel_loop3A_177 = vector.shape_cast %parallel_loop3A_176 : vector<1x16xf32> to vector<16xf32>
        %parallel_loop3A_178 = arith.index_cast %parallel_loop3A_73 : i32 to index
        %parallel_loop3A_179 = arith.constant 416 : index
        %parallel_loop3A_180 = tpu.vector_load %arg6[%parallel_loop3A_178, %parallel_loop3A_179] {strides = array<i32>} : memref<16x768xf32, #tpu.memory_space<vmem>>, vector<1x16xf32>,
        %parallel_loop3A_181 = vector.shape_cast %parallel_loop3A_180 : vector<1x16xf32> to vector<16xf32>
        %parallel_loop3A_182 = arith.index_cast %parallel_loop3A_73 : i32 to index
        %parallel_loop3A_183 = arith.constant 432 : index
        %parallel_loop3A_184 = tpu.vector_load %arg6[%parallel_loop3A_182, %parallel_loop3A_183] {strides = array<i32>} : memref<16x768xf32, #tpu.memory_space<vmem>>, vector<1x16xf32>,
        %parallel_loop3A_185 = vector.shape_cast %parallel_loop3A_184 : vector<1x16xf32> to vector<16xf32>
        %parallel_loop3A_186 = arith.index_cast %parallel_loop3A_73 : i32 to index
        %parallel_loop3A_187 = arith.constant 448 : index
        %parallel_loop3A_188 = tpu.vector_load %arg6[%parallel_loop3A_186, %parallel_loop3A_187] {strides = array<i32>} : memref<16x768xf32, #tpu.memory_space<vmem>>, vector<1x16xf32>,
        %parallel_loop3A_189 = vector.shape_cast %parallel_loop3A_188 : vector<1x16xf32> to vector<16xf32>
        %parallel_loop3A_190 = arith.index_cast %parallel_loop3A_73 : i32 to index
        %parallel_loop3A_191 = arith.constant 464 : index
        %parallel_loop3A_192 = tpu.vector_load %arg6[%parallel_loop3A_190, %parallel_loop3A_191] {strides = array<i32>} : memref<16x768xf32, #tpu.memory_space<vmem>>, vector<1x16xf32>,
        %parallel_loop3A_193 = vector.shape_cast %parallel_loop3A_192 : vector<1x16xf32> to vector<16xf32>
        %parallel_loop3A_194 = arith.index_cast %parallel_loop3A_73 : i32 to index
        %parallel_loop3A_195 = arith.constant 480 : index
        %parallel_loop3A_196 = tpu.vector_load %arg6[%parallel_loop3A_194, %parallel_loop3A_195] {strides = array<i32>} : memref<16x768xf32, #tpu.memory_space<vmem>>, vector<1x16xf32>,
        %parallel_loop3A_197 = vector.shape_cast %parallel_loop3A_196 : vector<1x16xf32> to vector<16xf32>
        %parallel_loop3A_198 = arith.index_cast %parallel_loop3A_73 : i32 to index
        %parallel_loop3A_199 = arith.constant 496 : index
        %parallel_loop3A_200 = tpu.vector_load %arg6[%parallel_loop3A_198, %parallel_loop3A_199] {strides = array<i32>} : memref<16x768xf32, #tpu.memory_space<vmem>>, vector<1x16xf32>,
        %parallel_loop3A_201 = vector.shape_cast %parallel_loop3A_200 : vector<1x16xf32> to vector<16xf32>
        %parallel_loop3A_202 = arith.index_cast %parallel_loop3A_73 : i32 to index
        %parallel_loop3A_203 = arith.constant 512 : index
        %parallel_loop3A_204 = tpu.vector_load %arg6[%parallel_loop3A_202, %parallel_loop3A_203] {strides = array<i32>} : memref<16x768xf32, #tpu.memory_space<vmem>>, vector<1x16xf32>,
        %parallel_loop3A_205 = vector.shape_cast %parallel_loop3A_204 : vector<1x16xf32> to vector<16xf32>
        %parallel_loop3A_206 = arith.index_cast %parallel_loop3A_73 : i32 to index
        %parallel_loop3A_207 = arith.constant 528 : index
        %parallel_loop3A_208 = tpu.vector_load %arg6[%parallel_loop3A_206, %parallel_loop3A_207] {strides = array<i32>} : memref<16x768xf32, #tpu.memory_space<vmem>>, vector<1x16xf32>,
        %parallel_loop3A_209 = vector.shape_cast %parallel_loop3A_208 : vector<1x16xf32> to vector<16xf32>
        %parallel_loop3A_210 = arith.index_cast %parallel_loop3A_73 : i32 to index
        %parallel_loop3A_211 = arith.constant 544 : index
        %parallel_loop3A_212 = tpu.vector_load %arg6[%parallel_loop3A_210, %parallel_loop3A_211] {strides = array<i32>} : memref<16x768xf32, #tpu.memory_space<vmem>>, vector<1x16xf32>,
        %parallel_loop3A_213 = vector.shape_cast %parallel_loop3A_212 : vector<1x16xf32> to vector<16xf32>
        %parallel_loop3A_214 = arith.index_cast %parallel_loop3A_73 : i32 to index
        %parallel_loop3A_215 = arith.constant 560 : index
        %parallel_loop3A_216 = tpu.vector_load %arg6[%parallel_loop3A_214, %parallel_loop3A_215] {strides = array<i32>} : memref<16x768xf32, #tpu.memory_space<vmem>>, vector<1x16xf32>,
        %parallel_loop3A_217 = vector.shape_cast %parallel_loop3A_216 : vector<1x16xf32> to vector<16xf32>
        %parallel_loop3A_218 = arith.index_cast %parallel_loop3A_73 : i32 to index
        %parallel_loop3A_219 = arith.constant 576 : index
        %parallel_loop3A_220 = tpu.vector_load %arg6[%parallel_loop3A_218, %parallel_loop3A_219] {strides = array<i32>} : memref<16x768xf32, #tpu.memory_space<vmem>>, vector<1x16xf32>,
        %parallel_loop3A_221 = vector.shape_cast %parallel_loop3A_220 : vector<1x16xf32> to vector<16xf32>
        %parallel_loop3A_222 = arith.index_cast %parallel_loop3A_73 : i32 to index
        %parallel_loop3A_223 = arith.constant 592 : index
        %parallel_loop3A_224 = tpu.vector_load %arg6[%parallel_loop3A_222, %parallel_loop3A_223] {strides = array<i32>} : memref<16x768xf32, #tpu.memory_space<vmem>>, vector<1x16xf32>,
        %parallel_loop3A_225 = vector.shape_cast %parallel_loop3A_224 : vector<1x16xf32> to vector<16xf32>
        %parallel_loop3A_226 = arith.index_cast %parallel_loop3A_73 : i32 to index
        %parallel_loop3A_227 = arith.constant 608 : index
        %parallel_loop3A_228 = tpu.vector_load %arg6[%parallel_loop3A_226, %parallel_loop3A_227] {strides = array<i32>} : memref<16x768xf32, #tpu.memory_space<vmem>>, vector<1x16xf32>,
        %parallel_loop3A_229 = vector.shape_cast %parallel_loop3A_228 : vector<1x16xf32> to vector<16xf32>
        %parallel_loop3A_230 = arith.index_cast %parallel_loop3A_73 : i32 to index
        %parallel_loop3A_231 = arith.constant 624 : index
        %parallel_loop3A_232 = tpu.vector_load %arg6[%parallel_loop3A_230, %parallel_loop3A_231] {strides = array<i32>} : memref<16x768xf32, #tpu.memory_space<vmem>>, vector<1x16xf32>,
        %parallel_loop3A_233 = vector.shape_cast %parallel_loop3A_232 : vector<1x16xf32> to vector<16xf32>
        %parallel_loop3A_234 = arith.index_cast %parallel_loop3A_73 : i32 to index
        %parallel_loop3A_235 = arith.constant 640 : index
        %parallel_loop3A_236 = tpu.vector_load %arg6[%parallel_loop3A_234, %parallel_loop3A_235] {strides = array<i32>} : memref<16x768xf32, #tpu.memory_space<vmem>>, vector<1x16xf32>,
        %parallel_loop3A_237 = vector.shape_cast %parallel_loop3A_236 : vector<1x16xf32> to vector<16xf32>
        %parallel_loop3A_238 = arith.index_cast %parallel_loop3A_73 : i32 to index
        %parallel_loop3A_239 = arith.constant 656 : index
        %parallel_loop3A_240 = tpu.vector_load %arg6[%parallel_loop3A_238, %parallel_loop3A_239] {strides = array<i32>} : memref<16x768xf32, #tpu.memory_space<vmem>>, vector<1x16xf32>,
        %parallel_loop3A_241 = vector.shape_cast %parallel_loop3A_240 : vector<1x16xf32> to vector<16xf32>
        %parallel_loop3A_242 = arith.index_cast %parallel_loop3A_73 : i32 to index
        %parallel_loop3A_243 = arith.constant 672 : index
        %parallel_loop3A_244 = tpu.vector_load %arg6[%parallel_loop3A_242, %parallel_loop3A_243] {strides = array<i32>} : memref<16x768xf32, #tpu.memory_space<vmem>>, vector<1x16xf32>,
        %parallel_loop3A_245 = vector.shape_cast %parallel_loop3A_244 : vector<1x16xf32> to vector<16xf32>
        %parallel_loop3A_246 = arith.index_cast %parallel_loop3A_73 : i32 to index
        %parallel_loop3A_247 = arith.constant 688 : index
        %parallel_loop3A_248 = tpu.vector_load %arg6[%parallel_loop3A_246, %parallel_loop3A_247] {strides = array<i32>} : memref<16x768xf32, #tpu.memory_space<vmem>>, vector<1x16xf32>,
        %parallel_loop3A_249 = vector.shape_cast %parallel_loop3A_248 : vector<1x16xf32> to vector<16xf32>
        %parallel_loop3A_250 = arith.index_cast %parallel_loop3A_73 : i32 to index
        %parallel_loop3A_251 = arith.constant 704 : index
        %parallel_loop3A_252 = tpu.vector_load %arg6[%parallel_loop3A_250, %parallel_loop3A_251] {strides = array<i32>} : memref<16x768xf32, #tpu.memory_space<vmem>>, vector<1x16xf32>,
        %parallel_loop3A_253 = vector.shape_cast %parallel_loop3A_252 : vector<1x16xf32> to vector<16xf32>
        %parallel_loop3A_254 = arith.index_cast %parallel_loop3A_73 : i32 to index
        %parallel_loop3A_255 = arith.constant 720 : index
        %parallel_loop3A_256 = tpu.vector_load %arg6[%parallel_loop3A_254, %parallel_loop3A_255] {strides = array<i32>} : memref<16x768xf32, #tpu.memory_space<vmem>>, vector<1x16xf32>,
        %parallel_loop3A_257 = vector.shape_cast %parallel_loop3A_256 : vector<1x16xf32> to vector<16xf32>
        %parallel_loop3A_258 = arith.index_cast %parallel_loop3A_73 : i32 to index
        %parallel_loop3A_259 = arith.constant 736 : index
        %parallel_loop3A_260 = tpu.vector_load %arg6[%parallel_loop3A_258, %parallel_loop3A_259] {strides = array<i32>} : memref<16x768xf32, #tpu.memory_space<vmem>>, vector<1x16xf32>,
        %parallel_loop3A_261 = vector.shape_cast %parallel_loop3A_260 : vector<1x16xf32> to vector<16xf32>
        %parallel_loop3A_262 = arith.index_cast %parallel_loop3A_73 : i32 to index
        %parallel_loop3A_263 = arith.constant 752 : index
        %parallel_loop3A_264 = tpu.vector_load %arg6[%parallel_loop3A_262, %parallel_loop3A_263] {strides = array<i32>} : memref<16x768xf32, #tpu.memory_space<vmem>>, vector<1x16xf32>,
        %parallel_loop3A_265 = vector.shape_cast %parallel_loop3A_264 : vector<1x16xf32> to vector<16xf32>
        %parallel_loop3A_266 = arith.index_cast %parallel_loop3A_65 : i32 to index
        %parallel_loop3A_267 = arith.constant 0 : index
        %parallel_loop3A_268 = tpu.vector_load %arg7[%parallel_loop3A_266, %parallel_loop3A_267] {strides = array<i32>} : memref<64x768xf32, #tpu.memory_space<vmem>>, vector<1x16xf32>,
        %parallel_loop3A_269 = vector.shape_cast %parallel_loop3A_268 : vector<1x16xf32> to vector<16xf32>
        %parallel_loop3A_270 = vector.shape_cast %parallel_loop3A_77 : vector<16xf32> to vector<1x16xf32>
        tpu.vector_store %arg7[%parallel_loop3A_266, %parallel_loop3A_267], %parallel_loop3A_270 {strides = array<i32>} : memref<64x768xf32, #tpu.memory_space<vmem>>, vector<1x16xf32>,
        %parallel_loop3A_271 = arith.index_cast %parallel_loop3A_65 : i32 to index
        %parallel_loop3A_272 = arith.constant 16 : index
        %parallel_loop3A_273 = tpu.vector_load %arg7[%parallel_loop3A_271, %parallel_loop3A_272] {strides = array<i32>} : memref<64x768xf32, #tpu.memory_space<vmem>>, vector<1x16xf32>,
        %parallel_loop3A_274 = vector.shape_cast %parallel_loop3A_273 : vector<1x16xf32> to vector<16xf32>
        %parallel_loop3A_275 = vector.shape_cast %parallel_loop3A_81 : vector<16xf32> to vector<1x16xf32>
        tpu.vector_store %arg7[%parallel_loop3A_271, %parallel_loop3A_272], %parallel_loop3A_275 {strides = array<i32>} : memref<64x768xf32, #tpu.memory_space<vmem>>, vector<1x16xf32>,
        %parallel_loop3A_276 = arith.index_cast %parallel_loop3A_65 : i32 to index
        %parallel_loop3A_277 = arith.constant 32 : index
        %parallel_loop3A_278 = tpu.vector_load %arg7[%parallel_loop3A_276, %parallel_loop3A_277] {strides = array<i32>} : memref<64x768xf32, #tpu.memory_space<vmem>>, vector<1x16xf32>,
        %parallel_loop3A_279 = vector.shape_cast %parallel_loop3A_278 : vector<1x16xf32> to vector<16xf32>
        %parallel_loop3A_280 = vector.shape_cast %parallel_loop3A_85 : vector<16xf32> to vector<1x16xf32>
        tpu.vector_store %arg7[%parallel_loop3A_276, %parallel_loop3A_277], %parallel_loop3A_280 {strides = array<i32>} : memref<64x768xf32, #tpu.memory_space<vmem>>, vector<1x16xf32>,
        %parallel_loop3A_281 = arith.index_cast %parallel_loop3A_65 : i32 to index
        %parallel_loop3A_282 = arith.constant 48 : index
        %parallel_loop3A_283 = tpu.vector_load %arg7[%parallel_loop3A_281, %parallel_loop3A_282] {strides = array<i32>} : memref<64x768xf32, #tpu.memory_space<vmem>>, vector<1x16xf32>,
        %parallel_loop3A_284 = vector.shape_cast %parallel_loop3A_283 : vector<1x16xf32> to vector<16xf32>
        %parallel_loop3A_285 = vector.shape_cast %parallel_loop3A_89 : vector<16xf32> to vector<1x16xf32>
        tpu.vector_store %arg7[%parallel_loop3A_281, %parallel_loop3A_282], %parallel_loop3A_285 {strides = array<i32>} : memref<64x768xf32, #tpu.memory_space<vmem>>, vector<1x16xf32>,
        %parallel_loop3A_286 = arith.index_cast %parallel_loop3A_65 : i32 to index
        %parallel_loop3A_287 = arith.constant 64 : index
        %parallel_loop3A_288 = tpu.vector_load %arg7[%parallel_loop3A_286, %parallel_loop3A_287] {strides = array<i32>} : memref<64x768xf32, #tpu.memory_space<vmem>>, vector<1x16xf32>,
        %parallel_loop3A_289 = vector.shape_cast %parallel_loop3A_288 : vector<1x16xf32> to vector<16xf32>
        %parallel_loop3A_290 = vector.shape_cast %parallel_loop3A_93 : vector<16xf32> to vector<1x16xf32>
        tpu.vector_store %arg7[%parallel_loop3A_286, %parallel_loop3A_287], %parallel_loop3A_290 {strides = array<i32>} : memref<64x768xf32, #tpu.memory_space<vmem>>, vector<1x16xf32>,
        %parallel_loop3A_291 = arith.index_cast %parallel_loop3A_65 : i32 to index
        %parallel_loop3A_292 = arith.constant 80 : index
        %parallel_loop3A_293 = tpu.vector_load %arg7[%parallel_loop3A_291, %parallel_loop3A_292] {strides = array<i32>} : memref<64x768xf32, #tpu.memory_space<vmem>>, vector<1x16xf32>,
        %parallel_loop3A_294 = vector.shape_cast %parallel_loop3A_293 : vector<1x16xf32> to vector<16xf32>
        %parallel_loop3A_295 = vector.shape_cast %parallel_loop3A_97 : vector<16xf32> to vector<1x16xf32>
        tpu.vector_store %arg7[%parallel_loop3A_291, %parallel_loop3A_292], %parallel_loop3A_295 {strides = array<i32>} : memref<64x768xf32, #tpu.memory_space<vmem>>, vector<1x16xf32>,
        %parallel_loop3A_296 = arith.index_cast %parallel_loop3A_65 : i32 to index
        %parallel_loop3A_297 = arith.constant 96 : index
        %parallel_loop3A_298 = tpu.vector_load %arg7[%parallel_loop3A_296, %parallel_loop3A_297] {strides = array<i32>} : memref<64x768xf32, #tpu.memory_space<vmem>>, vector<1x16xf32>,
        %parallel_loop3A_299 = vector.shape_cast %parallel_loop3A_298 : vector<1x16xf32> to vector<16xf32>
        %parallel_loop3A_300 = vector.shape_cast %parallel_loop3A_101 : vector<16xf32> to vector<1x16xf32>
        tpu.vector_store %arg7[%parallel_loop3A_296, %parallel_loop3A_297], %parallel_loop3A_300 {strides = array<i32>} : memref<64x768xf32, #tpu.memory_space<vmem>>, vector<1x16xf32>,
        %parallel_loop3A_301 = arith.index_cast %parallel_loop3A_65 : i32 to index
        %parallel_loop3A_302 = arith.constant 112 : index
        %parallel_loop3A_303 = tpu.vector_load %arg7[%parallel_loop3A_301, %parallel_loop3A_302] {strides = array<i32>} : memref<64x768xf32, #tpu.memory_space<vmem>>, vector<1x16xf32>,
        %parallel_loop3A_304 = vector.shape_cast %parallel_loop3A_303 : vector<1x16xf32> to vector<16xf32>
        %parallel_loop3A_305 = vector.shape_cast %parallel_loop3A_105 : vector<16xf32> to vector<1x16xf32>
        tpu.vector_store %arg7[%parallel_loop3A_301, %parallel_loop3A_302], %parallel_loop3A_305 {strides = array<i32>} : memref<64x768xf32, #tpu.memory_space<vmem>>, vector<1x16xf32>,
        %parallel_loop3A_306 = arith.index_cast %parallel_loop3A_65 : i32 to index
        %parallel_loop3A_307 = arith.constant 128 : index
        %parallel_loop3A_308 = tpu.vector_load %arg7[%parallel_loop3A_306, %parallel_loop3A_307] {strides = array<i32>} : memref<64x768xf32, #tpu.memory_space<vmem>>, vector<1x16xf32>,
        %parallel_loop3A_309 = vector.shape_cast %parallel_loop3A_308 : vector<1x16xf32> to vector<16xf32>
        %parallel_loop3A_310 = vector.shape_cast %parallel_loop3A_109 : vector<16xf32> to vector<1x16xf32>
        tpu.vector_store %arg7[%parallel_loop3A_306, %parallel_loop3A_307], %parallel_loop3A_310 {strides = array<i32>} : memref<64x768xf32, #tpu.memory_space<vmem>>, vector<1x16xf32>,
        %parallel_loop3A_311 = arith.index_cast %parallel_loop3A_65 : i32 to index
        %parallel_loop3A_312 = arith.constant 144 : index
        %parallel_loop3A_313 = tpu.vector_load %arg7[%parallel_loop3A_311, %parallel_loop3A_312] {strides = array<i32>} : memref<64x768xf32, #tpu.memory_space<vmem>>, vector<1x16xf32>,
        %parallel_loop3A_314 = vector.shape_cast %parallel_loop3A_313 : vector<1x16xf32> to vector<16xf32>
        %parallel_loop3A_315 = vector.shape_cast %parallel_loop3A_113 : vector<16xf32> to vector<1x16xf32>
        tpu.vector_store %arg7[%parallel_loop3A_311, %parallel_loop3A_312], %parallel_loop3A_315 {strides = array<i32>} : memref<64x768xf32, #tpu.memory_space<vmem>>, vector<1x16xf32>,
        %parallel_loop3A_316 = arith.index_cast %parallel_loop3A_65 : i32 to index
        %parallel_loop3A_317 = arith.constant 160 : index
        %parallel_loop3A_318 = tpu.vector_load %arg7[%parallel_loop3A_316, %parallel_loop3A_317] {strides = array<i32>} : memref<64x768xf32, #tpu.memory_space<vmem>>, vector<1x16xf32>,
        %parallel_loop3A_319 = vector.shape_cast %parallel_loop3A_318 : vector<1x16xf32> to vector<16xf32>
        %parallel_loop3A_320 = vector.shape_cast %parallel_loop3A_117 : vector<16xf32> to vector<1x16xf32>
        tpu.vector_store %arg7[%parallel_loop3A_316, %parallel_loop3A_317], %parallel_loop3A_320 {strides = array<i32>} : memref<64x768xf32, #tpu.memory_space<vmem>>, vector<1x16xf32>,
        %parallel_loop3A_321 = arith.index_cast %parallel_loop3A_65 : i32 to index
        %parallel_loop3A_322 = arith.constant 176 : index
        %parallel_loop3A_323 = tpu.vector_load %arg7[%parallel_loop3A_321, %parallel_loop3A_322] {strides = array<i32>} : memref<64x768xf32, #tpu.memory_space<vmem>>, vector<1x16xf32>,
        %parallel_loop3A_324 = vector.shape_cast %parallel_loop3A_323 : vector<1x16xf32> to vector<16xf32>
        %parallel_loop3A_325 = vector.shape_cast %parallel_loop3A_121 : vector<16xf32> to vector<1x16xf32>
        tpu.vector_store %arg7[%parallel_loop3A_321, %parallel_loop3A_322], %parallel_loop3A_325 {strides = array<i32>} : memref<64x768xf32, #tpu.memory_space<vmem>>, vector<1x16xf32>,
        %parallel_loop3A_326 = arith.index_cast %parallel_loop3A_65 : i32 to index
        %parallel_loop3A_327 = arith.constant 192 : index
        %parallel_loop3A_328 = tpu.vector_load %arg7[%parallel_loop3A_326, %parallel_loop3A_327] {strides = array<i32>} : memref<64x768xf32, #tpu.memory_space<vmem>>, vector<1x16xf32>,
        %parallel_loop3A_329 = vector.shape_cast %parallel_loop3A_328 : vector<1x16xf32> to vector<16xf32>
        %parallel_loop3A_330 = vector.shape_cast %parallel_loop3A_125 : vector<16xf32> to vector<1x16xf32>
        tpu.vector_store %arg7[%parallel_loop3A_326, %parallel_loop3A_327], %parallel_loop3A_330 {strides = array<i32>} : memref<64x768xf32, #tpu.memory_space<vmem>>, vector<1x16xf32>,
        %parallel_loop3A_331 = arith.index_cast %parallel_loop3A_65 : i32 to index
        %parallel_loop3A_332 = arith.constant 208 : index
        %parallel_loop3A_333 = tpu.vector_load %arg7[%parallel_loop3A_331, %parallel_loop3A_332] {strides = array<i32>} : memref<64x768xf32, #tpu.memory_space<vmem>>, vector<1x16xf32>,
        %parallel_loop3A_334 = vector.shape_cast %parallel_loop3A_333 : vector<1x16xf32> to vector<16xf32>
        %parallel_loop3A_335 = vector.shape_cast %parallel_loop3A_129 : vector<16xf32> to vector<1x16xf32>
        tpu.vector_store %arg7[%parallel_loop3A_331, %parallel_loop3A_332], %parallel_loop3A_335 {strides = array<i32>} : memref<64x768xf32, #tpu.memory_space<vmem>>, vector<1x16xf32>,
        %parallel_loop3A_336 = arith.index_cast %parallel_loop3A_65 : i32 to index
        %parallel_loop3A_337 = arith.constant 224 : index
        %parallel_loop3A_338 = tpu.vector_load %arg7[%parallel_loop3A_336, %parallel_loop3A_337] {strides = array<i32>} : memref<64x768xf32, #tpu.memory_space<vmem>>, vector<1x16xf32>,
        %parallel_loop3A_339 = vector.shape_cast %parallel_loop3A_338 : vector<1x16xf32> to vector<16xf32>
        %parallel_loop3A_340 = vector.shape_cast %parallel_loop3A_133 : vector<16xf32> to vector<1x16xf32>
        tpu.vector_store %arg7[%parallel_loop3A_336, %parallel_loop3A_337], %parallel_loop3A_340 {strides = array<i32>} : memref<64x768xf32, #tpu.memory_space<vmem>>, vector<1x16xf32>,
        %parallel_loop3A_341 = arith.index_cast %parallel_loop3A_65 : i32 to index
        %parallel_loop3A_342 = arith.constant 240 : index
        %parallel_loop3A_343 = tpu.vector_load %arg7[%parallel_loop3A_341, %parallel_loop3A_342] {strides = array<i32>} : memref<64x768xf32, #tpu.memory_space<vmem>>, vector<1x16xf32>,
        %parallel_loop3A_344 = vector.shape_cast %parallel_loop3A_343 : vector<1x16xf32> to vector<16xf32>
        %parallel_loop3A_345 = vector.shape_cast %parallel_loop3A_137 : vector<16xf32> to vector<1x16xf32>
        tpu.vector_store %arg7[%parallel_loop3A_341, %parallel_loop3A_342], %parallel_loop3A_345 {strides = array<i32>} : memref<64x768xf32, #tpu.memory_space<vmem>>, vector<1x16xf32>,
        %parallel_loop3A_346 = arith.index_cast %parallel_loop3A_65 : i32 to index
        %parallel_loop3A_347 = arith.constant 256 : index
        %parallel_loop3A_348 = tpu.vector_load %arg7[%parallel_loop3A_346, %parallel_loop3A_347] {strides = array<i32>} : memref<64x768xf32, #tpu.memory_space<vmem>>, vector<1x16xf32>,
        %parallel_loop3A_349 = vector.shape_cast %parallel_loop3A_348 : vector<1x16xf32> to vector<16xf32>
        %parallel_loop3A_350 = vector.shape_cast %parallel_loop3A_141 : vector<16xf32> to vector<1x16xf32>
        tpu.vector_store %arg7[%parallel_loop3A_346, %parallel_loop3A_347], %parallel_loop3A_350 {strides = array<i32>} : memref<64x768xf32, #tpu.memory_space<vmem>>, vector<1x16xf32>,
        %parallel_loop3A_351 = arith.index_cast %parallel_loop3A_65 : i32 to index
        %parallel_loop3A_352 = arith.constant 272 : index
        %parallel_loop3A_353 = tpu.vector_load %arg7[%parallel_loop3A_351, %parallel_loop3A_352] {strides = array<i32>} : memref<64x768xf32, #tpu.memory_space<vmem>>, vector<1x16xf32>,
        %parallel_loop3A_354 = vector.shape_cast %parallel_loop3A_353 : vector<1x16xf32> to vector<16xf32>
        %parallel_loop3A_355 = vector.shape_cast %parallel_loop3A_145 : vector<16xf32> to vector<1x16xf32>
        tpu.vector_store %arg7[%parallel_loop3A_351, %parallel_loop3A_352], %parallel_loop3A_355 {strides = array<i32>} : memref<64x768xf32, #tpu.memory_space<vmem>>, vector<1x16xf32>,
        %parallel_loop3A_356 = arith.index_cast %parallel_loop3A_65 : i32 to index
        %parallel_loop3A_357 = arith.constant 288 : index
        %parallel_loop3A_358 = tpu.vector_load %arg7[%parallel_loop3A_356, %parallel_loop3A_357] {strides = array<i32>} : memref<64x768xf32, #tpu.memory_space<vmem>>, vector<1x16xf32>,
        %parallel_loop3A_359 = vector.shape_cast %parallel_loop3A_358 : vector<1x16xf32> to vector<16xf32>
        %parallel_loop3A_360 = vector.shape_cast %parallel_loop3A_149 : vector<16xf32> to vector<1x16xf32>
        tpu.vector_store %arg7[%parallel_loop3A_356, %parallel_loop3A_357], %parallel_loop3A_360 {strides = array<i32>} : memref<64x768xf32, #tpu.memory_space<vmem>>, vector<1x16xf32>,
        %parallel_loop3A_361 = arith.index_cast %parallel_loop3A_65 : i32 to index
        %parallel_loop3A_362 = arith.constant 304 : index
        %parallel_loop3A_363 = tpu.vector_load %arg7[%parallel_loop3A_361, %parallel_loop3A_362] {strides = array<i32>} : memref<64x768xf32, #tpu.memory_space<vmem>>, vector<1x16xf32>,
        %parallel_loop3A_364 = vector.shape_cast %parallel_loop3A_363 : vector<1x16xf32> to vector<16xf32>
        %parallel_loop3A_365 = vector.shape_cast %parallel_loop3A_153 : vector<16xf32> to vector<1x16xf32>
        tpu.vector_store %arg7[%parallel_loop3A_361, %parallel_loop3A_362], %parallel_loop3A_365 {strides = array<i32>} : memref<64x768xf32, #tpu.memory_space<vmem>>, vector<1x16xf32>,
        %parallel_loop3A_366 = arith.index_cast %parallel_loop3A_65 : i32 to index
        %parallel_loop3A_367 = arith.constant 320 : index
        %parallel_loop3A_368 = tpu.vector_load %arg7[%parallel_loop3A_366, %parallel_loop3A_367] {strides = array<i32>} : memref<64x768xf32, #tpu.memory_space<vmem>>, vector<1x16xf32>,
        %parallel_loop3A_369 = vector.shape_cast %parallel_loop3A_368 : vector<1x16xf32> to vector<16xf32>
        %parallel_loop3A_370 = vector.shape_cast %parallel_loop3A_157 : vector<16xf32> to vector<1x16xf32>
        tpu.vector_store %arg7[%parallel_loop3A_366, %parallel_loop3A_367], %parallel_loop3A_370 {strides = array<i32>} : memref<64x768xf32, #tpu.memory_space<vmem>>, vector<1x16xf32>,
        %parallel_loop3A_371 = arith.index_cast %parallel_loop3A_65 : i32 to index
        %parallel_loop3A_372 = arith.constant 336 : index
        %parallel_loop3A_373 = tpu.vector_load %arg7[%parallel_loop3A_371, %parallel_loop3A_372] {strides = array<i32>} : memref<64x768xf32, #tpu.memory_space<vmem>>, vector<1x16xf32>,
        %parallel_loop3A_374 = vector.shape_cast %parallel_loop3A_373 : vector<1x16xf32> to vector<16xf32>
        %parallel_loop3A_375 = vector.shape_cast %parallel_loop3A_161 : vector<16xf32> to vector<1x16xf32>
        tpu.vector_store %arg7[%parallel_loop3A_371, %parallel_loop3A_372], %parallel_loop3A_375 {strides = array<i32>} : memref<64x768xf32, #tpu.memory_space<vmem>>, vector<1x16xf32>,
        %parallel_loop3A_376 = arith.index_cast %parallel_loop3A_65 : i32 to index
        %parallel_loop3A_377 = arith.constant 352 : index
        %parallel_loop3A_378 = tpu.vector_load %arg7[%parallel_loop3A_376, %parallel_loop3A_377] {strides = array<i32>} : memref<64x768xf32, #tpu.memory_space<vmem>>, vector<1x16xf32>,
        %parallel_loop3A_379 = vector.shape_cast %parallel_loop3A_378 : vector<1x16xf32> to vector<16xf32>
        %parallel_loop3A_380 = vector.shape_cast %parallel_loop3A_165 : vector<16xf32> to vector<1x16xf32>
        tpu.vector_store %arg7[%parallel_loop3A_376, %parallel_loop3A_377], %parallel_loop3A_380 {strides = array<i32>} : memref<64x768xf32, #tpu.memory_space<vmem>>, vector<1x16xf32>,
        %parallel_loop3A_381 = arith.index_cast %parallel_loop3A_65 : i32 to index
        %parallel_loop3A_382 = arith.constant 368 : index
        %parallel_loop3A_383 = tpu.vector_load %arg7[%parallel_loop3A_381, %parallel_loop3A_382] {strides = array<i32>} : memref<64x768xf32, #tpu.memory_space<vmem>>, vector<1x16xf32>,
        %parallel_loop3A_384 = vector.shape_cast %parallel_loop3A_383 : vector<1x16xf32> to vector<16xf32>
        %parallel_loop3A_385 = vector.shape_cast %parallel_loop3A_169 : vector<16xf32> to vector<1x16xf32>
        tpu.vector_store %arg7[%parallel_loop3A_381, %parallel_loop3A_382], %parallel_loop3A_385 {strides = array<i32>} : memref<64x768xf32, #tpu.memory_space<vmem>>, vector<1x16xf32>,
        %parallel_loop3A_386 = arith.index_cast %parallel_loop3A_65 : i32 to index
        %parallel_loop3A_387 = arith.constant 384 : index
        %parallel_loop3A_388 = tpu.vector_load %arg7[%parallel_loop3A_386, %parallel_loop3A_387] {strides = array<i32>} : memref<64x768xf32, #tpu.memory_space<vmem>>, vector<1x16xf32>,
        %parallel_loop3A_389 = vector.shape_cast %parallel_loop3A_388 : vector<1x16xf32> to vector<16xf32>
        %parallel_loop3A_390 = vector.shape_cast %parallel_loop3A_173 : vector<16xf32> to vector<1x16xf32>
        tpu.vector_store %arg7[%parallel_loop3A_386, %parallel_loop3A_387], %parallel_loop3A_390 {strides = array<i32>} : memref<64x768xf32, #tpu.memory_space<vmem>>, vector<1x16xf32>,
        %parallel_loop3A_391 = arith.index_cast %parallel_loop3A_65 : i32 to index
        %parallel_loop3A_392 = arith.constant 400 : index
        %parallel_loop3A_393 = tpu.vector_load %arg7[%parallel_loop3A_391, %parallel_loop3A_392] {strides = array<i32>} : memref<64x768xf32, #tpu.memory_space<vmem>>, vector<1x16xf32>,
        %parallel_loop3A_394 = vector.shape_cast %parallel_loop3A_393 : vector<1x16xf32> to vector<16xf32>
        %parallel_loop3A_395 = vector.shape_cast %parallel_loop3A_177 : vector<16xf32> to vector<1x16xf32>
        tpu.vector_store %arg7[%parallel_loop3A_391, %parallel_loop3A_392], %parallel_loop3A_395 {strides = array<i32>} : memref<64x768xf32, #tpu.memory_space<vmem>>, vector<1x16xf32>,
        %parallel_loop3A_396 = arith.index_cast %parallel_loop3A_65 : i32 to index
        %parallel_loop3A_397 = arith.constant 416 : index
        %parallel_loop3A_398 = tpu.vector_load %arg7[%parallel_loop3A_396, %parallel_loop3A_397] {strides = array<i32>} : memref<64x768xf32, #tpu.memory_space<vmem>>, vector<1x16xf32>,
        %parallel_loop3A_399 = vector.shape_cast %parallel_loop3A_398 : vector<1x16xf32> to vector<16xf32>
        %parallel_loop3A_400 = vector.shape_cast %parallel_loop3A_181 : vector<16xf32> to vector<1x16xf32>
        tpu.vector_store %arg7[%parallel_loop3A_396, %parallel_loop3A_397], %parallel_loop3A_400 {strides = array<i32>} : memref<64x768xf32, #tpu.memory_space<vmem>>, vector<1x16xf32>,
        %parallel_loop3A_401 = arith.index_cast %parallel_loop3A_65 : i32 to index
        %parallel_loop3A_402 = arith.constant 432 : index
        %parallel_loop3A_403 = tpu.vector_load %arg7[%parallel_loop3A_401, %parallel_loop3A_402] {strides = array<i32>} : memref<64x768xf32, #tpu.memory_space<vmem>>, vector<1x16xf32>,
        %parallel_loop3A_404 = vector.shape_cast %parallel_loop3A_403 : vector<1x16xf32> to vector<16xf32>
        %parallel_loop3A_405 = vector.shape_cast %parallel_loop3A_185 : vector<16xf32> to vector<1x16xf32>
        tpu.vector_store %arg7[%parallel_loop3A_401, %parallel_loop3A_402], %parallel_loop3A_405 {strides = array<i32>} : memref<64x768xf32, #tpu.memory_space<vmem>>, vector<1x16xf32>,
        %parallel_loop3A_406 = arith.index_cast %parallel_loop3A_65 : i32 to index
        %parallel_loop3A_407 = arith.constant 448 : index
        %parallel_loop3A_408 = tpu.vector_load %arg7[%parallel_loop3A_406, %parallel_loop3A_407] {strides = array<i32>} : memref<64x768xf32, #tpu.memory_space<vmem>>, vector<1x16xf32>,
        %parallel_loop3A_409 = vector.shape_cast %parallel_loop3A_408 : vector<1x16xf32> to vector<16xf32>
        %parallel_loop3A_410 = vector.shape_cast %parallel_loop3A_189 : vector<16xf32> to vector<1x16xf32>
        tpu.vector_store %arg7[%parallel_loop3A_406, %parallel_loop3A_407], %parallel_loop3A_410 {strides = array<i32>} : memref<64x768xf32, #tpu.memory_space<vmem>>, vector<1x16xf32>,
        %parallel_loop3A_411 = arith.index_cast %parallel_loop3A_65 : i32 to index
        %parallel_loop3A_412 = arith.constant 464 : index
        %parallel_loop3A_413 = tpu.vector_load %arg7[%parallel_loop3A_411, %parallel_loop3A_412] {strides = array<i32>} : memref<64x768xf32, #tpu.memory_space<vmem>>, vector<1x16xf32>,
        %parallel_loop3A_414 = vector.shape_cast %parallel_loop3A_413 : vector<1x16xf32> to vector<16xf32>
        %parallel_loop3A_415 = vector.shape_cast %parallel_loop3A_193 : vector<16xf32> to vector<1x16xf32>
        tpu.vector_store %arg7[%parallel_loop3A_411, %parallel_loop3A_412], %parallel_loop3A_415 {strides = array<i32>} : memref<64x768xf32, #tpu.memory_space<vmem>>, vector<1x16xf32>,
        %parallel_loop3A_416 = arith.index_cast %parallel_loop3A_65 : i32 to index
        %parallel_loop3A_417 = arith.constant 480 : index
        %parallel_loop3A_418 = tpu.vector_load %arg7[%parallel_loop3A_416, %parallel_loop3A_417] {strides = array<i32>} : memref<64x768xf32, #tpu.memory_space<vmem>>, vector<1x16xf32>,
        %parallel_loop3A_419 = vector.shape_cast %parallel_loop3A_418 : vector<1x16xf32> to vector<16xf32>
        %parallel_loop3A_420 = vector.shape_cast %parallel_loop3A_197 : vector<16xf32> to vector<1x16xf32>
        tpu.vector_store %arg7[%parallel_loop3A_416, %parallel_loop3A_417], %parallel_loop3A_420 {strides = array<i32>} : memref<64x768xf32, #tpu.memory_space<vmem>>, vector<1x16xf32>,
        %parallel_loop3A_421 = arith.index_cast %parallel_loop3A_65 : i32 to index
        %parallel_loop3A_422 = arith.constant 496 : index
        %parallel_loop3A_423 = tpu.vector_load %arg7[%parallel_loop3A_421, %parallel_loop3A_422] {strides = array<i32>} : memref<64x768xf32, #tpu.memory_space<vmem>>, vector<1x16xf32>,
        %parallel_loop3A_424 = vector.shape_cast %parallel_loop3A_423 : vector<1x16xf32> to vector<16xf32>
        %parallel_loop3A_425 = vector.shape_cast %parallel_loop3A_201 : vector<16xf32> to vector<1x16xf32>
        tpu.vector_store %arg7[%parallel_loop3A_421, %parallel_loop3A_422], %parallel_loop3A_425 {strides = array<i32>} : memref<64x768xf32, #tpu.memory_space<vmem>>, vector<1x16xf32>,
        %parallel_loop3A_426 = arith.index_cast %parallel_loop3A_65 : i32 to index
        %parallel_loop3A_427 = arith.constant 512 : index
        %parallel_loop3A_428 = tpu.vector_load %arg7[%parallel_loop3A_426, %parallel_loop3A_427] {strides = array<i32>} : memref<64x768xf32, #tpu.memory_space<vmem>>, vector<1x16xf32>,
        %parallel_loop3A_429 = vector.shape_cast %parallel_loop3A_428 : vector<1x16xf32> to vector<16xf32>
        %parallel_loop3A_430 = vector.shape_cast %parallel_loop3A_205 : vector<16xf32> to vector<1x16xf32>
        tpu.vector_store %arg7[%parallel_loop3A_426, %parallel_loop3A_427], %parallel_loop3A_430 {strides = array<i32>} : memref<64x768xf32, #tpu.memory_space<vmem>>, vector<1x16xf32>,
        %parallel_loop3A_431 = arith.index_cast %parallel_loop3A_65 : i32 to index
        %parallel_loop3A_432 = arith.constant 528 : index
        %parallel_loop3A_433 = tpu.vector_load %arg7[%parallel_loop3A_431, %parallel_loop3A_432] {strides = array<i32>} : memref<64x768xf32, #tpu.memory_space<vmem>>, vector<1x16xf32>,
        %parallel_loop3A_434 = vector.shape_cast %parallel_loop3A_433 : vector<1x16xf32> to vector<16xf32>
        %parallel_loop3A_435 = vector.shape_cast %parallel_loop3A_209 : vector<16xf32> to vector<1x16xf32>
        tpu.vector_store %arg7[%parallel_loop3A_431, %parallel_loop3A_432], %parallel_loop3A_435 {strides = array<i32>} : memref<64x768xf32, #tpu.memory_space<vmem>>, vector<1x16xf32>,
        %parallel_loop3A_436 = arith.index_cast %parallel_loop3A_65 : i32 to index
        %parallel_loop3A_437 = arith.constant 544 : index
        %parallel_loop3A_438 = tpu.vector_load %arg7[%parallel_loop3A_436, %parallel_loop3A_437] {strides = array<i32>} : memref<64x768xf32, #tpu.memory_space<vmem>>, vector<1x16xf32>,
        %parallel_loop3A_439 = vector.shape_cast %parallel_loop3A_438 : vector<1x16xf32> to vector<16xf32>
        %parallel_loop3A_440 = vector.shape_cast %parallel_loop3A_213 : vector<16xf32> to vector<1x16xf32>
        tpu.vector_store %arg7[%parallel_loop3A_436, %parallel_loop3A_437], %parallel_loop3A_440 {strides = array<i32>} : memref<64x768xf32, #tpu.memory_space<vmem>>, vector<1x16xf32>,
        %parallel_loop3A_441 = arith.index_cast %parallel_loop3A_65 : i32 to index
        %parallel_loop3A_442 = arith.constant 560 : index
        %parallel_loop3A_443 = tpu.vector_load %arg7[%parallel_loop3A_441, %parallel_loop3A_442] {strides = array<i32>} : memref<64x768xf32, #tpu.memory_space<vmem>>, vector<1x16xf32>,
        %parallel_loop3A_444 = vector.shape_cast %parallel_loop3A_443 : vector<1x16xf32> to vector<16xf32>
        %parallel_loop3A_445 = vector.shape_cast %parallel_loop3A_217 : vector<16xf32> to vector<1x16xf32>
        tpu.vector_store %arg7[%parallel_loop3A_441, %parallel_loop3A_442], %parallel_loop3A_445 {strides = array<i32>} : memref<64x768xf32, #tpu.memory_space<vmem>>, vector<1x16xf32>,
        %parallel_loop3A_446 = arith.index_cast %parallel_loop3A_65 : i32 to index
        %parallel_loop3A_447 = arith.constant 576 : index
        %parallel_loop3A_448 = tpu.vector_load %arg7[%parallel_loop3A_446, %parallel_loop3A_447] {strides = array<i32>} : memref<64x768xf32, #tpu.memory_space<vmem>>, vector<1x16xf32>,
        %parallel_loop3A_449 = vector.shape_cast %parallel_loop3A_448 : vector<1x16xf32> to vector<16xf32>
        %parallel_loop3A_450 = vector.shape_cast %parallel_loop3A_221 : vector<16xf32> to vector<1x16xf32>
        tpu.vector_store %arg7[%parallel_loop3A_446, %parallel_loop3A_447], %parallel_loop3A_450 {strides = array<i32>} : memref<64x768xf32, #tpu.memory_space<vmem>>, vector<1x16xf32>,
        %parallel_loop3A_451 = arith.index_cast %parallel_loop3A_65 : i32 to index
        %parallel_loop3A_452 = arith.constant 592 : index
        %parallel_loop3A_453 = tpu.vector_load %arg7[%parallel_loop3A_451, %parallel_loop3A_452] {strides = array<i32>} : memref<64x768xf32, #tpu.memory_space<vmem>>, vector<1x16xf32>,
        %parallel_loop3A_454 = vector.shape_cast %parallel_loop3A_453 : vector<1x16xf32> to vector<16xf32>
        %parallel_loop3A_455 = vector.shape_cast %parallel_loop3A_225 : vector<16xf32> to vector<1x16xf32>
        tpu.vector_store %arg7[%parallel_loop3A_451, %parallel_loop3A_452], %parallel_loop3A_455 {strides = array<i32>} : memref<64x768xf32, #tpu.memory_space<vmem>>, vector<1x16xf32>,
        %parallel_loop3A_456 = arith.index_cast %parallel_loop3A_65 : i32 to index
        %parallel_loop3A_457 = arith.constant 608 : index
        %parallel_loop3A_458 = tpu.vector_load %arg7[%parallel_loop3A_456, %parallel_loop3A_457] {strides = array<i32>} : memref<64x768xf32, #tpu.memory_space<vmem>>, vector<1x16xf32>,
        %parallel_loop3A_459 = vector.shape_cast %parallel_loop3A_458 : vector<1x16xf32> to vector<16xf32>
        %parallel_loop3A_460 = vector.shape_cast %parallel_loop3A_229 : vector<16xf32> to vector<1x16xf32>
        tpu.vector_store %arg7[%parallel_loop3A_456, %parallel_loop3A_457], %parallel_loop3A_460 {strides = array<i32>} : memref<64x768xf32, #tpu.memory_space<vmem>>, vector<1x16xf32>,
        %parallel_loop3A_461 = arith.index_cast %parallel_loop3A_65 : i32 to index
        %parallel_loop3A_462 = arith.constant 624 : index
        %parallel_loop3A_463 = tpu.vector_load %arg7[%parallel_loop3A_461, %parallel_loop3A_462] {strides = array<i32>} : memref<64x768xf32, #tpu.memory_space<vmem>>, vector<1x16xf32>,
        %parallel_loop3A_464 = vector.shape_cast %parallel_loop3A_463 : vector<1x16xf32> to vector<16xf32>
        %parallel_loop3A_465 = vector.shape_cast %parallel_loop3A_233 : vector<16xf32> to vector<1x16xf32>
        tpu.vector_store %arg7[%parallel_loop3A_461, %parallel_loop3A_462], %parallel_loop3A_465 {strides = array<i32>} : memref<64x768xf32, #tpu.memory_space<vmem>>, vector<1x16xf32>,
        %parallel_loop3A_466 = arith.index_cast %parallel_loop3A_65 : i32 to index
        %parallel_loop3A_467 = arith.constant 640 : index
        %parallel_loop3A_468 = tpu.vector_load %arg7[%parallel_loop3A_466, %parallel_loop3A_467] {strides = array<i32>} : memref<64x768xf32, #tpu.memory_space<vmem>>, vector<1x16xf32>,
        %parallel_loop3A_469 = vector.shape_cast %parallel_loop3A_468 : vector<1x16xf32> to vector<16xf32>
        %parallel_loop3A_470 = vector.shape_cast %parallel_loop3A_237 : vector<16xf32> to vector<1x16xf32>
        tpu.vector_store %arg7[%parallel_loop3A_466, %parallel_loop3A_467], %parallel_loop3A_470 {strides = array<i32>} : memref<64x768xf32, #tpu.memory_space<vmem>>, vector<1x16xf32>,
        %parallel_loop3A_471 = arith.index_cast %parallel_loop3A_65 : i32 to index
        %parallel_loop3A_472 = arith.constant 656 : index
        %parallel_loop3A_473 = tpu.vector_load %arg7[%parallel_loop3A_471, %parallel_loop3A_472] {strides = array<i32>} : memref<64x768xf32, #tpu.memory_space<vmem>>, vector<1x16xf32>,
        %parallel_loop3A_474 = vector.shape_cast %parallel_loop3A_473 : vector<1x16xf32> to vector<16xf32>
        %parallel_loop3A_475 = vector.shape_cast %parallel_loop3A_241 : vector<16xf32> to vector<1x16xf32>
        tpu.vector_store %arg7[%parallel_loop3A_471, %parallel_loop3A_472], %parallel_loop3A_475 {strides = array<i32>} : memref<64x768xf32, #tpu.memory_space<vmem>>, vector<1x16xf32>,
        %parallel_loop3A_476 = arith.index_cast %parallel_loop3A_65 : i32 to index
        %parallel_loop3A_477 = arith.constant 672 : index
        %parallel_loop3A_478 = tpu.vector_load %arg7[%parallel_loop3A_476, %parallel_loop3A_477] {strides = array<i32>} : memref<64x768xf32, #tpu.memory_space<vmem>>, vector<1x16xf32>,
        %parallel_loop3A_479 = vector.shape_cast %parallel_loop3A_478 : vector<1x16xf32> to vector<16xf32>
        %parallel_loop3A_480 = vector.shape_cast %parallel_loop3A_245 : vector<16xf32> to vector<1x16xf32>
        tpu.vector_store %arg7[%parallel_loop3A_476, %parallel_loop3A_477], %parallel_loop3A_480 {strides = array<i32>} : memref<64x768xf32, #tpu.memory_space<vmem>>, vector<1x16xf32>,
        %parallel_loop3A_481 = arith.index_cast %parallel_loop3A_65 : i32 to index
        %parallel_loop3A_482 = arith.constant 688 : index
        %parallel_loop3A_483 = tpu.vector_load %arg7[%parallel_loop3A_481, %parallel_loop3A_482] {strides = array<i32>} : memref<64x768xf32, #tpu.memory_space<vmem>>, vector<1x16xf32>,
        %parallel_loop3A_484 = vector.shape_cast %parallel_loop3A_483 : vector<1x16xf32> to vector<16xf32>
        %parallel_loop3A_485 = vector.shape_cast %parallel_loop3A_249 : vector<16xf32> to vector<1x16xf32>
        tpu.vector_store %arg7[%parallel_loop3A_481, %parallel_loop3A_482], %parallel_loop3A_485 {strides = array<i32>} : memref<64x768xf32, #tpu.memory_space<vmem>>, vector<1x16xf32>,
        %parallel_loop3A_486 = arith.index_cast %parallel_loop3A_65 : i32 to index
        %parallel_loop3A_487 = arith.constant 704 : index
        %parallel_loop3A_488 = tpu.vector_load %arg7[%parallel_loop3A_486, %parallel_loop3A_487] {strides = array<i32>} : memref<64x768xf32, #tpu.memory_space<vmem>>, vector<1x16xf32>,
        %parallel_loop3A_489 = vector.shape_cast %parallel_loop3A_488 : vector<1x16xf32> to vector<16xf32>
        %parallel_loop3A_490 = vector.shape_cast %parallel_loop3A_253 : vector<16xf32> to vector<1x16xf32>
        tpu.vector_store %arg7[%parallel_loop3A_486, %parallel_loop3A_487], %parallel_loop3A_490 {strides = array<i32>} : memref<64x768xf32, #tpu.memory_space<vmem>>, vector<1x16xf32>,
        %parallel_loop3A_491 = arith.index_cast %parallel_loop3A_65 : i32 to index
        %parallel_loop3A_492 = arith.constant 720 : index
        %parallel_loop3A_493 = tpu.vector_load %arg7[%parallel_loop3A_491, %parallel_loop3A_492] {strides = array<i32>} : memref<64x768xf32, #tpu.memory_space<vmem>>, vector<1x16xf32>,
        %parallel_loop3A_494 = vector.shape_cast %parallel_loop3A_493 : vector<1x16xf32> to vector<16xf32>
        %parallel_loop3A_495 = vector.shape_cast %parallel_loop3A_257 : vector<16xf32> to vector<1x16xf32>
        tpu.vector_store %arg7[%parallel_loop3A_491, %parallel_loop3A_492], %parallel_loop3A_495 {strides = array<i32>} : memref<64x768xf32, #tpu.memory_space<vmem>>, vector<1x16xf32>,
        %parallel_loop3A_496 = arith.index_cast %parallel_loop3A_65 : i32 to index
        %parallel_loop3A_497 = arith.constant 736 : index
        %parallel_loop3A_498 = tpu.vector_load %arg7[%parallel_loop3A_496, %parallel_loop3A_497] {strides = array<i32>} : memref<64x768xf32, #tpu.memory_space<vmem>>, vector<1x16xf32>,
        %parallel_loop3A_499 = vector.shape_cast %parallel_loop3A_498 : vector<1x16xf32> to vector<16xf32>
        %parallel_loop3A_500 = vector.shape_cast %parallel_loop3A_261 : vector<16xf32> to vector<1x16xf32>
        tpu.vector_store %arg7[%parallel_loop3A_496, %parallel_loop3A_497], %parallel_loop3A_500 {strides = array<i32>} : memref<64x768xf32, #tpu.memory_space<vmem>>, vector<1x16xf32>,
        %parallel_loop3A_501 = arith.index_cast %parallel_loop3A_65 : i32 to index
        %parallel_loop3A_502 = arith.constant 752 : index
        %parallel_loop3A_503 = tpu.vector_load %arg7[%parallel_loop3A_501, %parallel_loop3A_502] {strides = array<i32>} : memref<64x768xf32, #tpu.memory_space<vmem>>, vector<1x16xf32>,
        %parallel_loop3A_504 = vector.shape_cast %parallel_loop3A_503 : vector<1x16xf32> to vector<16xf32>
        %parallel_loop3A_505 = vector.shape_cast %parallel_loop3A_265 : vector<16xf32> to vector<1x16xf32>
        tpu.vector_store %arg7[%parallel_loop3A_501, %parallel_loop3A_502], %parallel_loop3A_505 {strides = array<i32>} : memref<64x768xf32, #tpu.memory_space<vmem>>, vector<1x16xf32>,
      } {sc.loop_unroll_factor = 2 : i64, sc.parallel_access}
      %mul3A_39 = arith.constant 64 : i32
      %mul3A_40 = arith.muli %add3A_34, %mul3A_39 : i32
      %add3A_41 = arith.addi %mul3A_2, %mul3A_40 : i32
      %dma_start3A_42 = arith.constant 0 : i32
      %dma_start3A_43 = tpu.memref_slice %arg4[%add3A_41, %dma_start3A_42] : memref<65536x768xf32, #tpu.memory_space<hbm>> -> memref<64x768xf32, #tpu.memory_space<hbm>>
      %dma_start3A_44 = arith.constant 0 : i32
      %dma_start3A_45 = tpu.memref_slice %arg4[%add3A_41, %dma_start3A_44] : memref<65536x768xf32, #tpu.memory_space<hbm>> -> memref<64x768xf32, #tpu.memory_space<hbm>>
      tpu.enqueue_dma source(%arg7 : memref<64x768xf32, #tpu.memory_space<vmem>>) target(%dma_start3A_45 : memref<64x768xf32, #tpu.memory_space<hbm>>) target_semaphore(%arg9 : memref<!tpu.dma_semaphore, #tpu.memory_space<semaphore_mem>>)
      %mul3A_46 = arith.constant 2 : i32
      %mul3A_47 = arith.muli %mul3A_46, %scan3A_30 : i32
      %add3A_48 = arith.constant 1 : i32
      %add3A_49 = arith.addi %mul3A_47, %add3A_48 : i32
      %ge3A_50 = arith.constant 2 : i32
      %ge3A_51 = arith.cmpi sge, %add3A_49, %ge3A_50 : i32
      %convert_element_type3A_52 = arith.extui %ge3A_51 : i1 to i32
      %cond3A_53 = arith.constant 0 : i32
      %cond3A_54 = arith.cmpi ne, %convert_element_type3A_52, %cond3A_53 : i32
      scf.if %cond3A_54 {
        %mul3A_65 = arith.constant 64 : i32
        %mul3A_66 = arith.muli %add3A_49, %mul3A_65 : i32
        %add3A_67 = arith.addi %mul3A_2, %mul3A_66 : i32
        %dma_wait3A_68 = arith.constant 0 : i32
        %dma_wait3A_69 = tpu.memref_slice %arg4[%add3A_67, %dma_wait3A_68] : memref<65536x768xf32, #tpu.memory_space<hbm>> -> memref<64x768xf32, #tpu.memory_space<hbm>>
        %dma_wait3A_70 = arith.constant 0 : i32
        %dma_wait3A_71 = tpu.memref_slice %arg4[%add3A_67, %dma_wait3A_70] : memref<65536x768xf32, #tpu.memory_space<hbm>> -> memref<64x768xf32, #tpu.memory_space<hbm>>
        tpu.wait_dma2 semaphore(%arg10 : memref<!tpu.dma_semaphore, #tpu.memory_space<semaphore_mem>>) src(%arg8 : memref<64x768xf32, #tpu.memory_space<vmem>>) dst(%dma_wait3A_71 : memref<64x768xf32, #tpu.memory_space<hbm>>)
      } else {
      }
      %parallel_loop3A_55 = arith.constant 0 : i32
      %parallel_loop3A_56 = arith.constant 64 : i32
      %parallel_loop3A_57 = arith.constant 1 : i32
      scf.for %parallel_loop3A_65 = %parallel_loop3A_55 to %parallel_loop3A_56 step %parallel_loop3A_57  : i32 {
        %parallel_loop3A_66 = arith.constant 64 : i32
        %parallel_loop3A_67 = arith.muli %add3A_49, %parallel_loop3A_66 : i32
        %parallel_loop3A_68 = arith.addi %parallel_loop3A_67, %parallel_loop3A_65 : i32
        %parallel_loop3A_69 = arith.index_cast %parallel_loop3A_68 : i32 to index
        %parallel_loop3A_70 = tpu.vector_load %arg5[%parallel_loop3A_69] {strides = array<i32>} : memref<2064xi32, #tpu.memory_space<vmem>>, vector<16xi32>,
        %parallel_loop3A_71 = vector.shape_cast %parallel_loop3A_70 : vector<16xi32> to vector<16xi32>
        %parallel_loop3A_72 = vector.extract_strided_slice %parallel_loop3A_71 {offsets = [0], sizes = [1], strides = [1]} : vector<16xi32> to vector<1xi32>
        %parallel_loop3A_73 = vector.extract %parallel_loop3A_72[0] : i32 from vector<1xi32>
        %parallel_loop3A_74 = arith.index_cast %parallel_loop3A_73 : i32 to index
        %parallel_loop3A_75 = arith.constant 0 : index
        %parallel_loop3A_76 = tpu.vector_load %arg6[%parallel_loop3A_74, %parallel_loop3A_75] {strides = array<i32>} : memref<16x768xf32, #tpu.memory_space<vmem>>, vector<1x16xf32>,
        %parallel_loop3A_77 = vector.shape_cast %parallel_loop3A_76 : vector<1x16xf32> to vector<16xf32>
        %parallel_loop3A_78 = arith.index_cast %parallel_loop3A_73 : i32 to index
        %parallel_loop3A_79 = arith.constant 16 : index
        %parallel_loop3A_80 = tpu.vector_load %arg6[%parallel_loop3A_78, %parallel_loop3A_79] {strides = array<i32>} : memref<16x768xf32, #tpu.memory_space<vmem>>, vector<1x16xf32>,
        %parallel_loop3A_81 = vector.shape_cast %parallel_loop3A_80 : vector<1x16xf32> to vector<16xf32>
        %parallel_loop3A_82 = arith.index_cast %parallel_loop3A_73 : i32 to index
        %parallel_loop3A_83 = arith.constant 32 : index
        %parallel_loop3A_84 = tpu.vector_load %arg6[%parallel_loop3A_82, %parallel_loop3A_83] {strides = array<i32>} : memref<16x768xf32, #tpu.memory_space<vmem>>, vector<1x16xf32>,
        %parallel_loop3A_85 = vector.shape_cast %parallel_loop3A_84 : vector<1x16xf32> to vector<16xf32>
        %parallel_loop3A_86 = arith.index_cast %parallel_loop3A_73 : i32 to index
        %parallel_loop3A_87 = arith.constant 48 : index
        %parallel_loop3A_88 = tpu.vector_load %arg6[%parallel_loop3A_86, %parallel_loop3A_87] {strides = array<i32>} : memref<16x768xf32, #tpu.memory_space<vmem>>, vector<1x16xf32>,
        %parallel_loop3A_89 = vector.shape_cast %parallel_loop3A_88 : vector<1x16xf32> to vector<16xf32>
        %parallel_loop3A_90 = arith.index_cast %parallel_loop3A_73 : i32 to index
        %parallel_loop3A_91 = arith.constant 64 : index
        %parallel_loop3A_92 = tpu.vector_load %arg6[%parallel_loop3A_90, %parallel_loop3A_91] {strides = array<i32>} : memref<16x768xf32, #tpu.memory_space<vmem>>, vector<1x16xf32>,
        %parallel_loop3A_93 = vector.shape_cast %parallel_loop3A_92 : vector<1x16xf32> to vector<16xf32>
        %parallel_loop3A_94 = arith.index_cast %parallel_loop3A_73 : i32 to index
        %parallel_loop3A_95 = arith.constant 80 : index
        %parallel_loop3A_96 = tpu.vector_load %arg6[%parallel_loop3A_94, %parallel_loop3A_95] {strides = array<i32>} : memref<16x768xf32, #tpu.memory_space<vmem>>, vector<1x16xf32>,
        %parallel_loop3A_97 = vector.shape_cast %parallel_loop3A_96 : vector<1x16xf32> to vector<16xf32>
        %parallel_loop3A_98 = arith.index_cast %parallel_loop3A_73 : i32 to index
        %parallel_loop3A_99 = arith.constant 96 : index
        %parallel_loop3A_100 = tpu.vector_load %arg6[%parallel_loop3A_98, %parallel_loop3A_99] {strides = array<i32>} : memref<16x768xf32, #tpu.memory_space<vmem>>, vector<1x16xf32>,
        %parallel_loop3A_101 = vector.shape_cast %parallel_loop3A_100 : vector<1x16xf32> to vector<16xf32>
        %parallel_loop3A_102 = arith.index_cast %parallel_loop3A_73 : i32 to index
        %parallel_loop3A_103 = arith.constant 112 : index
        %parallel_loop3A_104 = tpu.vector_load %arg6[%parallel_loop3A_102, %parallel_loop3A_103] {strides = array<i32>} : memref<16x768xf32, #tpu.memory_space<vmem>>, vector<1x16xf32>,
        %parallel_loop3A_105 = vector.shape_cast %parallel_loop3A_104 : vector<1x16xf32> to vector<16xf32>
        %parallel_loop3A_106 = arith.index_cast %parallel_loop3A_73 : i32 to index
        %parallel_loop3A_107 = arith.constant 128 : index
        %parallel_loop3A_108 = tpu.vector_load %arg6[%parallel_loop3A_106, %parallel_loop3A_107] {strides = array<i32>} : memref<16x768xf32, #tpu.memory_space<vmem>>, vector<1x16xf32>,
        %parallel_loop3A_109 = vector.shape_cast %parallel_loop3A_108 : vector<1x16xf32> to vector<16xf32>
        %parallel_loop3A_110 = arith.index_cast %parallel_loop3A_73 : i32 to index
        %parallel_loop3A_111 = arith.constant 144 : index
        %parallel_loop3A_112 = tpu.vector_load %arg6[%parallel_loop3A_110, %parallel_loop3A_111] {strides = array<i32>} : memref<16x768xf32, #tpu.memory_space<vmem>>, vector<1x16xf32>,
        %parallel_loop3A_113 = vector.shape_cast %parallel_loop3A_112 : vector<1x16xf32> to vector<16xf32>
        %parallel_loop3A_114 = arith.index_cast %parallel_loop3A_73 : i32 to index
        %parallel_loop3A_115 = arith.constant 160 : index
        %parallel_loop3A_116 = tpu.vector_load %arg6[%parallel_loop3A_114, %parallel_loop3A_115] {strides = array<i32>} : memref<16x768xf32, #tpu.memory_space<vmem>>, vector<1x16xf32>,
        %parallel_loop3A_117 = vector.shape_cast %parallel_loop3A_116 : vector<1x16xf32> to vector<16xf32>
        %parallel_loop3A_118 = arith.index_cast %parallel_loop3A_73 : i32 to index
        %parallel_loop3A_119 = arith.constant 176 : index
        %parallel_loop3A_120 = tpu.vector_load %arg6[%parallel_loop3A_118, %parallel_loop3A_119] {strides = array<i32>} : memref<16x768xf32, #tpu.memory_space<vmem>>, vector<1x16xf32>,
        %parallel_loop3A_121 = vector.shape_cast %parallel_loop3A_120 : vector<1x16xf32> to vector<16xf32>
        %parallel_loop3A_122 = arith.index_cast %parallel_loop3A_73 : i32 to index
        %parallel_loop3A_123 = arith.constant 192 : index
        %parallel_loop3A_124 = tpu.vector_load %arg6[%parallel_loop3A_122, %parallel_loop3A_123] {strides = array<i32>} : memref<16x768xf32, #tpu.memory_space<vmem>>, vector<1x16xf32>,
        %parallel_loop3A_125 = vector.shape_cast %parallel_loop3A_124 : vector<1x16xf32> to vector<16xf32>
        %parallel_loop3A_126 = arith.index_cast %parallel_loop3A_73 : i32 to index
        %parallel_loop3A_127 = arith.constant 208 : index
        %parallel_loop3A_128 = tpu.vector_load %arg6[%parallel_loop3A_126, %parallel_loop3A_127] {strides = array<i32>} : memref<16x768xf32, #tpu.memory_space<vmem>>, vector<1x16xf32>,
        %parallel_loop3A_129 = vector.shape_cast %parallel_loop3A_128 : vector<1x16xf32> to vector<16xf32>
        %parallel_loop3A_130 = arith.index_cast %parallel_loop3A_73 : i32 to index
        %parallel_loop3A_131 = arith.constant 224 : index
        %parallel_loop3A_132 = tpu.vector_load %arg6[%parallel_loop3A_130, %parallel_loop3A_131] {strides = array<i32>} : memref<16x768xf32, #tpu.memory_space<vmem>>, vector<1x16xf32>,
        %parallel_loop3A_133 = vector.shape_cast %parallel_loop3A_132 : vector<1x16xf32> to vector<16xf32>
        %parallel_loop3A_134 = arith.index_cast %parallel_loop3A_73 : i32 to index
        %parallel_loop3A_135 = arith.constant 240 : index
        %parallel_loop3A_136 = tpu.vector_load %arg6[%parallel_loop3A_134, %parallel_loop3A_135] {strides = array<i32>} : memref<16x768xf32, #tpu.memory_space<vmem>>, vector<1x16xf32>,
        %parallel_loop3A_137 = vector.shape_cast %parallel_loop3A_136 : vector<1x16xf32> to vector<16xf32>
        %parallel_loop3A_138 = arith.index_cast %parallel_loop3A_73 : i32 to index
        %parallel_loop3A_139 = arith.constant 256 : index
        %parallel_loop3A_140 = tpu.vector_load %arg6[%parallel_loop3A_138, %parallel_loop3A_139] {strides = array<i32>} : memref<16x768xf32, #tpu.memory_space<vmem>>, vector<1x16xf32>,
        %parallel_loop3A_141 = vector.shape_cast %parallel_loop3A_140 : vector<1x16xf32> to vector<16xf32>
        %parallel_loop3A_142 = arith.index_cast %parallel_loop3A_73 : i32 to index
        %parallel_loop3A_143 = arith.constant 272 : index
        %parallel_loop3A_144 = tpu.vector_load %arg6[%parallel_loop3A_142, %parallel_loop3A_143] {strides = array<i32>} : memref<16x768xf32, #tpu.memory_space<vmem>>, vector<1x16xf32>,
        %parallel_loop3A_145 = vector.shape_cast %parallel_loop3A_144 : vector<1x16xf32> to vector<16xf32>
        %parallel_loop3A_146 = arith.index_cast %parallel_loop3A_73 : i32 to index
        %parallel_loop3A_147 = arith.constant 288 : index
        %parallel_loop3A_148 = tpu.vector_load %arg6[%parallel_loop3A_146, %parallel_loop3A_147] {strides = array<i32>} : memref<16x768xf32, #tpu.memory_space<vmem>>, vector<1x16xf32>,
        %parallel_loop3A_149 = vector.shape_cast %parallel_loop3A_148 : vector<1x16xf32> to vector<16xf32>
        %parallel_loop3A_150 = arith.index_cast %parallel_loop3A_73 : i32 to index
        %parallel_loop3A_151 = arith.constant 304 : index
        %parallel_loop3A_152 = tpu.vector_load %arg6[%parallel_loop3A_150, %parallel_loop3A_151] {strides = array<i32>} : memref<16x768xf32, #tpu.memory_space<vmem>>, vector<1x16xf32>,
        %parallel_loop3A_153 = vector.shape_cast %parallel_loop3A_152 : vector<1x16xf32> to vector<16xf32>
        %parallel_loop3A_154 = arith.index_cast %parallel_loop3A_73 : i32 to index
        %parallel_loop3A_155 = arith.constant 320 : index
        %parallel_loop3A_156 = tpu.vector_load %arg6[%parallel_loop3A_154, %parallel_loop3A_155] {strides = array<i32>} : memref<16x768xf32, #tpu.memory_space<vmem>>, vector<1x16xf32>,
        %parallel_loop3A_157 = vector.shape_cast %parallel_loop3A_156 : vector<1x16xf32> to vector<16xf32>
        %parallel_loop3A_158 = arith.index_cast %parallel_loop3A_73 : i32 to index
        %parallel_loop3A_159 = arith.constant 336 : index
        %parallel_loop3A_160 = tpu.vector_load %arg6[%parallel_loop3A_158, %parallel_loop3A_159] {strides = array<i32>} : memref<16x768xf32, #tpu.memory_space<vmem>>, vector<1x16xf32>,
        %parallel_loop3A_161 = vector.shape_cast %parallel_loop3A_160 : vector<1x16xf32> to vector<16xf32>
        %parallel_loop3A_162 = arith.index_cast %parallel_loop3A_73 : i32 to index
        %parallel_loop3A_163 = arith.constant 352 : index
        %parallel_loop3A_164 = tpu.vector_load %arg6[%parallel_loop3A_162, %parallel_loop3A_163] {strides = array<i32>} : memref<16x768xf32, #tpu.memory_space<vmem>>, vector<1x16xf32>,
        %parallel_loop3A_165 = vector.shape_cast %parallel_loop3A_164 : vector<1x16xf32> to vector<16xf32>
        %parallel_loop3A_166 = arith.index_cast %parallel_loop3A_73 : i32 to index
        %parallel_loop3A_167 = arith.constant 368 : index
        %parallel_loop3A_168 = tpu.vector_load %arg6[%parallel_loop3A_166, %parallel_loop3A_167] {strides = array<i32>} : memref<16x768xf32, #tpu.memory_space<vmem>>, vector<1x16xf32>,
        %parallel_loop3A_169 = vector.shape_cast %parallel_loop3A_168 : vector<1x16xf32> to vector<16xf32>
        %parallel_loop3A_170 = arith.index_cast %parallel_loop3A_73 : i32 to index
        %parallel_loop3A_171 = arith.constant 384 : index
        %parallel_loop3A_172 = tpu.vector_load %arg6[%parallel_loop3A_170, %parallel_loop3A_171] {strides = array<i32>} : memref<16x768xf32, #tpu.memory_space<vmem>>, vector<1x16xf32>,
        %parallel_loop3A_173 = vector.shape_cast %parallel_loop3A_172 : vector<1x16xf32> to vector<16xf32>
        %parallel_loop3A_174 = arith.index_cast %parallel_loop3A_73 : i32 to index
        %parallel_loop3A_175 = arith.constant 400 : index
        %parallel_loop3A_176 = tpu.vector_load %arg6[%parallel_loop3A_174, %parallel_loop3A_175] {strides = array<i32>} : memref<16x768xf32, #tpu.memory_space<vmem>>, vector<1x16xf32>,
        %parallel_loop3A_177 = vector.shape_cast %parallel_loop3A_176 : vector<1x16xf32> to vector<16xf32>
        %parallel_loop3A_178 = arith.index_cast %parallel_loop3A_73 : i32 to index
        %parallel_loop3A_179 = arith.constant 416 : index
        %parallel_loop3A_180 = tpu.vector_load %arg6[%parallel_loop3A_178, %parallel_loop3A_179] {strides = array<i32>} : memref<16x768xf32, #tpu.memory_space<vmem>>, vector<1x16xf32>,
        %parallel_loop3A_181 = vector.shape_cast %parallel_loop3A_180 : vector<1x16xf32> to vector<16xf32>
        %parallel_loop3A_182 = arith.index_cast %parallel_loop3A_73 : i32 to index
        %parallel_loop3A_183 = arith.constant 432 : index
        %parallel_loop3A_184 = tpu.vector_load %arg6[%parallel_loop3A_182, %parallel_loop3A_183] {strides = array<i32>} : memref<16x768xf32, #tpu.memory_space<vmem>>, vector<1x16xf32>,
        %parallel_loop3A_185 = vector.shape_cast %parallel_loop3A_184 : vector<1x16xf32> to vector<16xf32>
        %parallel_loop3A_186 = arith.index_cast %parallel_loop3A_73 : i32 to index
        %parallel_loop3A_187 = arith.constant 448 : index
        %parallel_loop3A_188 = tpu.vector_load %arg6[%parallel_loop3A_186, %parallel_loop3A_187] {strides = array<i32>} : memref<16x768xf32, #tpu.memory_space<vmem>>, vector<1x16xf32>,
        %parallel_loop3A_189 = vector.shape_cast %parallel_loop3A_188 : vector<1x16xf32> to vector<16xf32>
        %parallel_loop3A_190 = arith.index_cast %parallel_loop3A_73 : i32 to index
        %parallel_loop3A_191 = arith.constant 464 : index
        %parallel_loop3A_192 = tpu.vector_load %arg6[%parallel_loop3A_190, %parallel_loop3A_191] {strides = array<i32>} : memref<16x768xf32, #tpu.memory_space<vmem>>, vector<1x16xf32>,
        %parallel_loop3A_193 = vector.shape_cast %parallel_loop3A_192 : vector<1x16xf32> to vector<16xf32>
        %parallel_loop3A_194 = arith.index_cast %parallel_loop3A_73 : i32 to index
        %parallel_loop3A_195 = arith.constant 480 : index
        %parallel_loop3A_196 = tpu.vector_load %arg6[%parallel_loop3A_194, %parallel_loop3A_195] {strides = array<i32>} : memref<16x768xf32, #tpu.memory_space<vmem>>, vector<1x16xf32>,
        %parallel_loop3A_197 = vector.shape_cast %parallel_loop3A_196 : vector<1x16xf32> to vector<16xf32>
        %parallel_loop3A_198 = arith.index_cast %parallel_loop3A_73 : i32 to index
        %parallel_loop3A_199 = arith.constant 496 : index
        %parallel_loop3A_200 = tpu.vector_load %arg6[%parallel_loop3A_198, %parallel_loop3A_199] {strides = array<i32>} : memref<16x768xf32, #tpu.memory_space<vmem>>, vector<1x16xf32>,
        %parallel_loop3A_201 = vector.shape_cast %parallel_loop3A_200 : vector<1x16xf32> to vector<16xf32>
        %parallel_loop3A_202 = arith.index_cast %parallel_loop3A_73 : i32 to index
        %parallel_loop3A_203 = arith.constant 512 : index
        %parallel_loop3A_204 = tpu.vector_load %arg6[%parallel_loop3A_202, %parallel_loop3A_203] {strides = array<i32>} : memref<16x768xf32, #tpu.memory_space<vmem>>, vector<1x16xf32>,
        %parallel_loop3A_205 = vector.shape_cast %parallel_loop3A_204 : vector<1x16xf32> to vector<16xf32>
        %parallel_loop3A_206 = arith.index_cast %parallel_loop3A_73 : i32 to index
        %parallel_loop3A_207 = arith.constant 528 : index
        %parallel_loop3A_208 = tpu.vector_load %arg6[%parallel_loop3A_206, %parallel_loop3A_207] {strides = array<i32>} : memref<16x768xf32, #tpu.memory_space<vmem>>, vector<1x16xf32>,
        %parallel_loop3A_209 = vector.shape_cast %parallel_loop3A_208 : vector<1x16xf32> to vector<16xf32>
        %parallel_loop3A_210 = arith.index_cast %parallel_loop3A_73 : i32 to index
        %parallel_loop3A_211 = arith.constant 544 : index
        %parallel_loop3A_212 = tpu.vector_load %arg6[%parallel_loop3A_210, %parallel_loop3A_211] {strides = array<i32>} : memref<16x768xf32, #tpu.memory_space<vmem>>, vector<1x16xf32>,
        %parallel_loop3A_213 = vector.shape_cast %parallel_loop3A_212 : vector<1x16xf32> to vector<16xf32>
        %parallel_loop3A_214 = arith.index_cast %parallel_loop3A_73 : i32 to index
        %parallel_loop3A_215 = arith.constant 560 : index
        %parallel_loop3A_216 = tpu.vector_load %arg6[%parallel_loop3A_214, %parallel_loop3A_215] {strides = array<i32>} : memref<16x768xf32, #tpu.memory_space<vmem>>, vector<1x16xf32>,
        %parallel_loop3A_217 = vector.shape_cast %parallel_loop3A_216 : vector<1x16xf32> to vector<16xf32>
        %parallel_loop3A_218 = arith.index_cast %parallel_loop3A_73 : i32 to index
        %parallel_loop3A_219 = arith.constant 576 : index
        %parallel_loop3A_220 = tpu.vector_load %arg6[%parallel_loop3A_218, %parallel_loop3A_219] {strides = array<i32>} : memref<16x768xf32, #tpu.memory_space<vmem>>, vector<1x16xf32>,
        %parallel_loop3A_221 = vector.shape_cast %parallel_loop3A_220 : vector<1x16xf32> to vector<16xf32>
        %parallel_loop3A_222 = arith.index_cast %parallel_loop3A_73 : i32 to index
        %parallel_loop3A_223 = arith.constant 592 : index
        %parallel_loop3A_224 = tpu.vector_load %arg6[%parallel_loop3A_222, %parallel_loop3A_223] {strides = array<i32>} : memref<16x768xf32, #tpu.memory_space<vmem>>, vector<1x16xf32>,
        %parallel_loop3A_225 = vector.shape_cast %parallel_loop3A_224 : vector<1x16xf32> to vector<16xf32>
        %parallel_loop3A_226 = arith.index_cast %parallel_loop3A_73 : i32 to index
        %parallel_loop3A_227 = arith.constant 608 : index
        %parallel_loop3A_228 = tpu.vector_load %arg6[%parallel_loop3A_226, %parallel_loop3A_227] {strides = array<i32>} : memref<16x768xf32, #tpu.memory_space<vmem>>, vector<1x16xf32>,
        %parallel_loop3A_229 = vector.shape_cast %parallel_loop3A_228 : vector<1x16xf32> to vector<16xf32>
        %parallel_loop3A_230 = arith.index_cast %parallel_loop3A_73 : i32 to index
        %parallel_loop3A_231 = arith.constant 624 : index
        %parallel_loop3A_232 = tpu.vector_load %arg6[%parallel_loop3A_230, %parallel_loop3A_231] {strides = array<i32>} : memref<16x768xf32, #tpu.memory_space<vmem>>, vector<1x16xf32>,
        %parallel_loop3A_233 = vector.shape_cast %parallel_loop3A_232 : vector<1x16xf32> to vector<16xf32>
        %parallel_loop3A_234 = arith.index_cast %parallel_loop3A_73 : i32 to index
        %parallel_loop3A_235 = arith.constant 640 : index
        %parallel_loop3A_236 = tpu.vector_load %arg6[%parallel_loop3A_234, %parallel_loop3A_235] {strides = array<i32>} : memref<16x768xf32, #tpu.memory_space<vmem>>, vector<1x16xf32>,
        %parallel_loop3A_237 = vector.shape_cast %parallel_loop3A_236 : vector<1x16xf32> to vector<16xf32>
        %parallel_loop3A_238 = arith.index_cast %parallel_loop3A_73 : i32 to index
        %parallel_loop3A_239 = arith.constant 656 : index
        %parallel_loop3A_240 = tpu.vector_load %arg6[%parallel_loop3A_238, %parallel_loop3A_239] {strides = array<i32>} : memref<16x768xf32, #tpu.memory_space<vmem>>, vector<1x16xf32>,
        %parallel_loop3A_241 = vector.shape_cast %parallel_loop3A_240 : vector<1x16xf32> to vector<16xf32>
        %parallel_loop3A_242 = arith.index_cast %parallel_loop3A_73 : i32 to index
        %parallel_loop3A_243 = arith.constant 672 : index
        %parallel_loop3A_244 = tpu.vector_load %arg6[%parallel_loop3A_242, %parallel_loop3A_243] {strides = array<i32>} : memref<16x768xf32, #tpu.memory_space<vmem>>, vector<1x16xf32>,
        %parallel_loop3A_245 = vector.shape_cast %parallel_loop3A_244 : vector<1x16xf32> to vector<16xf32>
        %parallel_loop3A_246 = arith.index_cast %parallel_loop3A_73 : i32 to index
        %parallel_loop3A_247 = arith.constant 688 : index
        %parallel_loop3A_248 = tpu.vector_load %arg6[%parallel_loop3A_246, %parallel_loop3A_247] {strides = array<i32>} : memref<16x768xf32, #tpu.memory_space<vmem>>, vector<1x16xf32>,
        %parallel_loop3A_249 = vector.shape_cast %parallel_loop3A_248 : vector<1x16xf32> to vector<16xf32>
        %parallel_loop3A_250 = arith.index_cast %parallel_loop3A_73 : i32 to index
        %parallel_loop3A_251 = arith.constant 704 : index
        %parallel_loop3A_252 = tpu.vector_load %arg6[%parallel_loop3A_250, %parallel_loop3A_251] {strides = array<i32>} : memref<16x768xf32, #tpu.memory_space<vmem>>, vector<1x16xf32>,
        %parallel_loop3A_253 = vector.shape_cast %parallel_loop3A_252 : vector<1x16xf32> to vector<16xf32>
        %parallel_loop3A_254 = arith.index_cast %parallel_loop3A_73 : i32 to index
        %parallel_loop3A_255 = arith.constant 720 : index
        %parallel_loop3A_256 = tpu.vector_load %arg6[%parallel_loop3A_254, %parallel_loop3A_255] {strides = array<i32>} : memref<16x768xf32, #tpu.memory_space<vmem>>, vector<1x16xf32>,
        %parallel_loop3A_257 = vector.shape_cast %parallel_loop3A_256 : vector<1x16xf32> to vector<16xf32>
        %parallel_loop3A_258 = arith.index_cast %parallel_loop3A_73 : i32 to index
        %parallel_loop3A_259 = arith.constant 736 : index
        %parallel_loop3A_260 = tpu.vector_load %arg6[%parallel_loop3A_258, %parallel_loop3A_259] {strides = array<i32>} : memref<16x768xf32, #tpu.memory_space<vmem>>, vector<1x16xf32>,
        %parallel_loop3A_261 = vector.shape_cast %parallel_loop3A_260 : vector<1x16xf32> to vector<16xf32>
        %parallel_loop3A_262 = arith.index_cast %parallel_loop3A_73 : i32 to index
        %parallel_loop3A_263 = arith.constant 752 : index
        %parallel_loop3A_264 = tpu.vector_load %arg6[%parallel_loop3A_262, %parallel_loop3A_263] {strides = array<i32>} : memref<16x768xf32, #tpu.memory_space<vmem>>, vector<1x16xf32>,
        %parallel_loop3A_265 = vector.shape_cast %parallel_loop3A_264 : vector<1x16xf32> to vector<16xf32>
        %parallel_loop3A_266 = arith.index_cast %parallel_loop3A_65 : i32 to index
        %parallel_loop3A_267 = arith.constant 0 : index
        %parallel_loop3A_268 = tpu.vector_load %arg8[%parallel_loop3A_266, %parallel_loop3A_267] {strides = array<i32>} : memref<64x768xf32, #tpu.memory_space<vmem>>, vector<1x16xf32>,
        %parallel_loop3A_269 = vector.shape_cast %parallel_loop3A_268 : vector<1x16xf32> to vector<16xf32>
        %parallel_loop3A_270 = vector.shape_cast %parallel_loop3A_77 : vector<16xf32> to vector<1x16xf32>
        tpu.vector_store %arg8[%parallel_loop3A_266, %parallel_loop3A_267], %parallel_loop3A_270 {strides = array<i32>} : memref<64x768xf32, #tpu.memory_space<vmem>>, vector<1x16xf32>,
        %parallel_loop3A_271 = arith.index_cast %parallel_loop3A_65 : i32 to index
        %parallel_loop3A_272 = arith.constant 16 : index
        %parallel_loop3A_273 = tpu.vector_load %arg8[%parallel_loop3A_271, %parallel_loop3A_272] {strides = array<i32>} : memref<64x768xf32, #tpu.memory_space<vmem>>, vector<1x16xf32>,
        %parallel_loop3A_274 = vector.shape_cast %parallel_loop3A_273 : vector<1x16xf32> to vector<16xf32>
        %parallel_loop3A_275 = vector.shape_cast %parallel_loop3A_81 : vector<16xf32> to vector<1x16xf32>
        tpu.vector_store %arg8[%parallel_loop3A_271, %parallel_loop3A_272], %parallel_loop3A_275 {strides = array<i32>} : memref<64x768xf32, #tpu.memory_space<vmem>>, vector<1x16xf32>,
        %parallel_loop3A_276 = arith.index_cast %parallel_loop3A_65 : i32 to index
        %parallel_loop3A_277 = arith.constant 32 : index
        %parallel_loop3A_278 = tpu.vector_load %arg8[%parallel_loop3A_276, %parallel_loop3A_277] {strides = array<i32>} : memref<64x768xf32, #tpu.memory_space<vmem>>, vector<1x16xf32>,
        %parallel_loop3A_279 = vector.shape_cast %parallel_loop3A_278 : vector<1x16xf32> to vector<16xf32>
        %parallel_loop3A_280 = vector.shape_cast %parallel_loop3A_85 : vector<16xf32> to vector<1x16xf32>
        tpu.vector_store %arg8[%parallel_loop3A_276, %parallel_loop3A_277], %parallel_loop3A_280 {strides = array<i32>} : memref<64x768xf32, #tpu.memory_space<vmem>>, vector<1x16xf32>,
        %parallel_loop3A_281 = arith.index_cast %parallel_loop3A_65 : i32 to index
        %parallel_loop3A_282 = arith.constant 48 : index
        %parallel_loop3A_283 = tpu.vector_load %arg8[%parallel_loop3A_281, %parallel_loop3A_282] {strides = array<i32>} : memref<64x768xf32, #tpu.memory_space<vmem>>, vector<1x16xf32>,
        %parallel_loop3A_284 = vector.shape_cast %parallel_loop3A_283 : vector<1x16xf32> to vector<16xf32>
        %parallel_loop3A_285 = vector.shape_cast %parallel_loop3A_89 : vector<16xf32> to vector<1x16xf32>
        tpu.vector_store %arg8[%parallel_loop3A_281, %parallel_loop3A_282], %parallel_loop3A_285 {strides = array<i32>} : memref<64x768xf32, #tpu.memory_space<vmem>>, vector<1x16xf32>,
        %parallel_loop3A_286 = arith.index_cast %parallel_loop3A_65 : i32 to index
        %parallel_loop3A_287 = arith.constant 64 : index
        %parallel_loop3A_288 = tpu.vector_load %arg8[%parallel_loop3A_286, %parallel_loop3A_287] {strides = array<i32>} : memref<64x768xf32, #tpu.memory_space<vmem>>, vector<1x16xf32>,
        %parallel_loop3A_289 = vector.shape_cast %parallel_loop3A_288 : vector<1x16xf32> to vector<16xf32>
        %parallel_loop3A_290 = vector.shape_cast %parallel_loop3A_93 : vector<16xf32> to vector<1x16xf32>
        tpu.vector_store %arg8[%parallel_loop3A_286, %parallel_loop3A_287], %parallel_loop3A_290 {strides = array<i32>} : memref<64x768xf32, #tpu.memory_space<vmem>>, vector<1x16xf32>,
        %parallel_loop3A_291 = arith.index_cast %parallel_loop3A_65 : i32 to index
        %parallel_loop3A_292 = arith.constant 80 : index
        %parallel_loop3A_293 = tpu.vector_load %arg8[%parallel_loop3A_291, %parallel_loop3A_292] {strides = array<i32>} : memref<64x768xf32, #tpu.memory_space<vmem>>, vector<1x16xf32>,
        %parallel_loop3A_294 = vector.shape_cast %parallel_loop3A_293 : vector<1x16xf32> to vector<16xf32>
        %parallel_loop3A_295 = vector.shape_cast %parallel_loop3A_97 : vector<16xf32> to vector<1x16xf32>
        tpu.vector_store %arg8[%parallel_loop3A_291, %parallel_loop3A_292], %parallel_loop3A_295 {strides = array<i32>} : memref<64x768xf32, #tpu.memory_space<vmem>>, vector<1x16xf32>,
        %parallel_loop3A_296 = arith.index_cast %parallel_loop3A_65 : i32 to index
        %parallel_loop3A_297 = arith.constant 96 : index
        %parallel_loop3A_298 = tpu.vector_load %arg8[%parallel_loop3A_296, %parallel_loop3A_297] {strides = array<i32>} : memref<64x768xf32, #tpu.memory_space<vmem>>, vector<1x16xf32>,
        %parallel_loop3A_299 = vector.shape_cast %parallel_loop3A_298 : vector<1x16xf32> to vector<16xf32>
        %parallel_loop3A_300 = vector.shape_cast %parallel_loop3A_101 : vector<16xf32> to vector<1x16xf32>
        tpu.vector_store %arg8[%parallel_loop3A_296, %parallel_loop3A_297], %parallel_loop3A_300 {strides = array<i32>} : memref<64x768xf32, #tpu.memory_space<vmem>>, vector<1x16xf32>,
        %parallel_loop3A_301 = arith.index_cast %parallel_loop3A_65 : i32 to index
        %parallel_loop3A_302 = arith.constant 112 : index
        %parallel_loop3A_303 = tpu.vector_load %arg8[%parallel_loop3A_301, %parallel_loop3A_302] {strides = array<i32>} : memref<64x768xf32, #tpu.memory_space<vmem>>, vector<1x16xf32>,
        %parallel_loop3A_304 = vector.shape_cast %parallel_loop3A_303 : vector<1x16xf32> to vector<16xf32>
        %parallel_loop3A_305 = vector.shape_cast %parallel_loop3A_105 : vector<16xf32> to vector<1x16xf32>
        tpu.vector_store %arg8[%parallel_loop3A_301, %parallel_loop3A_302], %parallel_loop3A_305 {strides = array<i32>} : memref<64x768xf32, #tpu.memory_space<vmem>>, vector<1x16xf32>,
        %parallel_loop3A_306 = arith.index_cast %parallel_loop3A_65 : i32 to index
        %parallel_loop3A_307 = arith.constant 128 : index
        %parallel_loop3A_308 = tpu.vector_load %arg8[%parallel_loop3A_306, %parallel_loop3A_307] {strides = array<i32>} : memref<64x768xf32, #tpu.memory_space<vmem>>, vector<1x16xf32>,
        %parallel_loop3A_309 = vector.shape_cast %parallel_loop3A_308 : vector<1x16xf32> to vector<16xf32>
        %parallel_loop3A_310 = vector.shape_cast %parallel_loop3A_109 : vector<16xf32> to vector<1x16xf32>
        tpu.vector_store %arg8[%parallel_loop3A_306, %parallel_loop3A_307], %parallel_loop3A_310 {strides = array<i32>} : memref<64x768xf32, #tpu.memory_space<vmem>>, vector<1x16xf32>,
        %parallel_loop3A_311 = arith.index_cast %parallel_loop3A_65 : i32 to index
        %parallel_loop3A_312 = arith.constant 144 : index
        %parallel_loop3A_313 = tpu.vector_load %arg8[%parallel_loop3A_311, %parallel_loop3A_312] {strides = array<i32>} : memref<64x768xf32, #tpu.memory_space<vmem>>, vector<1x16xf32>,
        %parallel_loop3A_314 = vector.shape_cast %parallel_loop3A_313 : vector<1x16xf32> to vector<16xf32>
        %parallel_loop3A_315 = vector.shape_cast %parallel_loop3A_113 : vector<16xf32> to vector<1x16xf32>
        tpu.vector_store %arg8[%parallel_loop3A_311, %parallel_loop3A_312], %parallel_loop3A_315 {strides = array<i32>} : memref<64x768xf32, #tpu.memory_space<vmem>>, vector<1x16xf32>,
        %parallel_loop3A_316 = arith.index_cast %parallel_loop3A_65 : i32 to index
        %parallel_loop3A_317 = arith.constant 160 : index
        %parallel_loop3A_318 = tpu.vector_load %arg8[%parallel_loop3A_316, %parallel_loop3A_317] {strides = array<i32>} : memref<64x768xf32, #tpu.memory_space<vmem>>, vector<1x16xf32>,
        %parallel_loop3A_319 = vector.shape_cast %parallel_loop3A_318 : vector<1x16xf32> to vector<16xf32>
        %parallel_loop3A_320 = vector.shape_cast %parallel_loop3A_117 : vector<16xf32> to vector<1x16xf32>
        tpu.vector_store %arg8[%parallel_loop3A_316, %parallel_loop3A_317], %parallel_loop3A_320 {strides = array<i32>} : memref<64x768xf32, #tpu.memory_space<vmem>>, vector<1x16xf32>,
        %parallel_loop3A_321 = arith.index_cast %parallel_loop3A_65 : i32 to index
        %parallel_loop3A_322 = arith.constant 176 : index
        %parallel_loop3A_323 = tpu.vector_load %arg8[%parallel_loop3A_321, %parallel_loop3A_322] {strides = array<i32>} : memref<64x768xf32, #tpu.memory_space<vmem>>, vector<1x16xf32>,
        %parallel_loop3A_324 = vector.shape_cast %parallel_loop3A_323 : vector<1x16xf32> to vector<16xf32>
        %parallel_loop3A_325 = vector.shape_cast %parallel_loop3A_121 : vector<16xf32> to vector<1x16xf32>
        tpu.vector_store %arg8[%parallel_loop3A_321, %parallel_loop3A_322], %parallel_loop3A_325 {strides = array<i32>} : memref<64x768xf32, #tpu.memory_space<vmem>>, vector<1x16xf32>,
        %parallel_loop3A_326 = arith.index_cast %parallel_loop3A_65 : i32 to index
        %parallel_loop3A_327 = arith.constant 192 : index
        %parallel_loop3A_328 = tpu.vector_load %arg8[%parallel_loop3A_326, %parallel_loop3A_327] {strides = array<i32>} : memref<64x768xf32, #tpu.memory_space<vmem>>, vector<1x16xf32>,
        %parallel_loop3A_329 = vector.shape_cast %parallel_loop3A_328 : vector<1x16xf32> to vector<16xf32>
        %parallel_loop3A_330 = vector.shape_cast %parallel_loop3A_125 : vector<16xf32> to vector<1x16xf32>
        tpu.vector_store %arg8[%parallel_loop3A_326, %parallel_loop3A_327], %parallel_loop3A_330 {strides = array<i32>} : memref<64x768xf32, #tpu.memory_space<vmem>>, vector<1x16xf32>,
        %parallel_loop3A_331 = arith.index_cast %parallel_loop3A_65 : i32 to index
        %parallel_loop3A_332 = arith.constant 208 : index
        %parallel_loop3A_333 = tpu.vector_load %arg8[%parallel_loop3A_331, %parallel_loop3A_332] {strides = array<i32>} : memref<64x768xf32, #tpu.memory_space<vmem>>, vector<1x16xf32>,
        %parallel_loop3A_334 = vector.shape_cast %parallel_loop3A_333 : vector<1x16xf32> to vector<16xf32>
        %parallel_loop3A_335 = vector.shape_cast %parallel_loop3A_129 : vector<16xf32> to vector<1x16xf32>
        tpu.vector_store %arg8[%parallel_loop3A_331, %parallel_loop3A_332], %parallel_loop3A_335 {strides = array<i32>} : memref<64x768xf32, #tpu.memory_space<vmem>>, vector<1x16xf32>,
        %parallel_loop3A_336 = arith.index_cast %parallel_loop3A_65 : i32 to index
        %parallel_loop3A_337 = arith.constant 224 : index
        %parallel_loop3A_338 = tpu.vector_load %arg8[%parallel_loop3A_336, %parallel_loop3A_337] {strides = array<i32>} : memref<64x768xf32, #tpu.memory_space<vmem>>, vector<1x16xf32>,
        %parallel_loop3A_339 = vector.shape_cast %parallel_loop3A_338 : vector<1x16xf32> to vector<16xf32>
        %parallel_loop3A_340 = vector.shape_cast %parallel_loop3A_133 : vector<16xf32> to vector<1x16xf32>
        tpu.vector_store %arg8[%parallel_loop3A_336, %parallel_loop3A_337], %parallel_loop3A_340 {strides = array<i32>} : memref<64x768xf32, #tpu.memory_space<vmem>>, vector<1x16xf32>,
        %parallel_loop3A_341 = arith.index_cast %parallel_loop3A_65 : i32 to index
        %parallel_loop3A_342 = arith.constant 240 : index
        %parallel_loop3A_343 = tpu.vector_load %arg8[%parallel_loop3A_341, %parallel_loop3A_342] {strides = array<i32>} : memref<64x768xf32, #tpu.memory_space<vmem>>, vector<1x16xf32>,
        %parallel_loop3A_344 = vector.shape_cast %parallel_loop3A_343 : vector<1x16xf32> to vector<16xf32>
        %parallel_loop3A_345 = vector.shape_cast %parallel_loop3A_137 : vector<16xf32> to vector<1x16xf32>
        tpu.vector_store %arg8[%parallel_loop3A_341, %parallel_loop3A_342], %parallel_loop3A_345 {strides = array<i32>} : memref<64x768xf32, #tpu.memory_space<vmem>>, vector<1x16xf32>,
        %parallel_loop3A_346 = arith.index_cast %parallel_loop3A_65 : i32 to index
        %parallel_loop3A_347 = arith.constant 256 : index
        %parallel_loop3A_348 = tpu.vector_load %arg8[%parallel_loop3A_346, %parallel_loop3A_347] {strides = array<i32>} : memref<64x768xf32, #tpu.memory_space<vmem>>, vector<1x16xf32>,
        %parallel_loop3A_349 = vector.shape_cast %parallel_loop3A_348 : vector<1x16xf32> to vector<16xf32>
        %parallel_loop3A_350 = vector.shape_cast %parallel_loop3A_141 : vector<16xf32> to vector<1x16xf32>
        tpu.vector_store %arg8[%parallel_loop3A_346, %parallel_loop3A_347], %parallel_loop3A_350 {strides = array<i32>} : memref<64x768xf32, #tpu.memory_space<vmem>>, vector<1x16xf32>,
        %parallel_loop3A_351 = arith.index_cast %parallel_loop3A_65 : i32 to index
        %parallel_loop3A_352 = arith.constant 272 : index
        %parallel_loop3A_353 = tpu.vector_load %arg8[%parallel_loop3A_351, %parallel_loop3A_352] {strides = array<i32>} : memref<64x768xf32, #tpu.memory_space<vmem>>, vector<1x16xf32>,
        %parallel_loop3A_354 = vector.shape_cast %parallel_loop3A_353 : vector<1x16xf32> to vector<16xf32>
        %parallel_loop3A_355 = vector.shape_cast %parallel_loop3A_145 : vector<16xf32> to vector<1x16xf32>
        tpu.vector_store %arg8[%parallel_loop3A_351, %parallel_loop3A_352], %parallel_loop3A_355 {strides = array<i32>} : memref<64x768xf32, #tpu.memory_space<vmem>>, vector<1x16xf32>,
        %parallel_loop3A_356 = arith.index_cast %parallel_loop3A_65 : i32 to index
        %parallel_loop3A_357 = arith.constant 288 : index
        %parallel_loop3A_358 = tpu.vector_load %arg8[%parallel_loop3A_356, %parallel_loop3A_357] {strides = array<i32>} : memref<64x768xf32, #tpu.memory_space<vmem>>, vector<1x16xf32>,
        %parallel_loop3A_359 = vector.shape_cast %parallel_loop3A_358 : vector<1x16xf32> to vector<16xf32>
        %parallel_loop3A_360 = vector.shape_cast %parallel_loop3A_149 : vector<16xf32> to vector<1x16xf32>
        tpu.vector_store %arg8[%parallel_loop3A_356, %parallel_loop3A_357], %parallel_loop3A_360 {strides = array<i32>} : memref<64x768xf32, #tpu.memory_space<vmem>>, vector<1x16xf32>,
        %parallel_loop3A_361 = arith.index_cast %parallel_loop3A_65 : i32 to index
        %parallel_loop3A_362 = arith.constant 304 : index
        %parallel_loop3A_363 = tpu.vector_load %arg8[%parallel_loop3A_361, %parallel_loop3A_362] {strides = array<i32>} : memref<64x768xf32, #tpu.memory_space<vmem>>, vector<1x16xf32>,
        %parallel_loop3A_364 = vector.shape_cast %parallel_loop3A_363 : vector<1x16xf32> to vector<16xf32>
        %parallel_loop3A_365 = vector.shape_cast %parallel_loop3A_153 : vector<16xf32> to vector<1x16xf32>
        tpu.vector_store %arg8[%parallel_loop3A_361, %parallel_loop3A_362], %parallel_loop3A_365 {strides = array<i32>} : memref<64x768xf32, #tpu.memory_space<vmem>>, vector<1x16xf32>,
        %parallel_loop3A_366 = arith.index_cast %parallel_loop3A_65 : i32 to index
        %parallel_loop3A_367 = arith.constant 320 : index
        %parallel_loop3A_368 = tpu.vector_load %arg8[%parallel_loop3A_366, %parallel_loop3A_367] {strides = array<i32>} : memref<64x768xf32, #tpu.memory_space<vmem>>, vector<1x16xf32>,
        %parallel_loop3A_369 = vector.shape_cast %parallel_loop3A_368 : vector<1x16xf32> to vector<16xf32>
        %parallel_loop3A_370 = vector.shape_cast %parallel_loop3A_157 : vector<16xf32> to vector<1x16xf32>
        tpu.vector_store %arg8[%parallel_loop3A_366, %parallel_loop3A_367], %parallel_loop3A_370 {strides = array<i32>} : memref<64x768xf32, #tpu.memory_space<vmem>>, vector<1x16xf32>,
        %parallel_loop3A_371 = arith.index_cast %parallel_loop3A_65 : i32 to index
        %parallel_loop3A_372 = arith.constant 336 : index
        %parallel_loop3A_373 = tpu.vector_load %arg8[%parallel_loop3A_371, %parallel_loop3A_372] {strides = array<i32>} : memref<64x768xf32, #tpu.memory_space<vmem>>, vector<1x16xf32>,
        %parallel_loop3A_374 = vector.shape_cast %parallel_loop3A_373 : vector<1x16xf32> to vector<16xf32>
        %parallel_loop3A_375 = vector.shape_cast %parallel_loop3A_161 : vector<16xf32> to vector<1x16xf32>
        tpu.vector_store %arg8[%parallel_loop3A_371, %parallel_loop3A_372], %parallel_loop3A_375 {strides = array<i32>} : memref<64x768xf32, #tpu.memory_space<vmem>>, vector<1x16xf32>,
        %parallel_loop3A_376 = arith.index_cast %parallel_loop3A_65 : i32 to index
        %parallel_loop3A_377 = arith.constant 352 : index
        %parallel_loop3A_378 = tpu.vector_load %arg8[%parallel_loop3A_376, %parallel_loop3A_377] {strides = array<i32>} : memref<64x768xf32, #tpu.memory_space<vmem>>, vector<1x16xf32>,
        %parallel_loop3A_379 = vector.shape_cast %parallel_loop3A_378 : vector<1x16xf32> to vector<16xf32>
        %parallel_loop3A_380 = vector.shape_cast %parallel_loop3A_165 : vector<16xf32> to vector<1x16xf32>
        tpu.vector_store %arg8[%parallel_loop3A_376, %parallel_loop3A_377], %parallel_loop3A_380 {strides = array<i32>} : memref<64x768xf32, #tpu.memory_space<vmem>>, vector<1x16xf32>,
        %parallel_loop3A_381 = arith.index_cast %parallel_loop3A_65 : i32 to index
        %parallel_loop3A_382 = arith.constant 368 : index
        %parallel_loop3A_383 = tpu.vector_load %arg8[%parallel_loop3A_381, %parallel_loop3A_382] {strides = array<i32>} : memref<64x768xf32, #tpu.memory_space<vmem>>, vector<1x16xf32>,
        %parallel_loop3A_384 = vector.shape_cast %parallel_loop3A_383 : vector<1x16xf32> to vector<16xf32>
        %parallel_loop3A_385 = vector.shape_cast %parallel_loop3A_169 : vector<16xf32> to vector<1x16xf32>
        tpu.vector_store %arg8[%parallel_loop3A_381, %parallel_loop3A_382], %parallel_loop3A_385 {strides = array<i32>} : memref<64x768xf32, #tpu.memory_space<vmem>>, vector<1x16xf32>,
        %parallel_loop3A_386 = arith.index_cast %parallel_loop3A_65 : i32 to index
        %parallel_loop3A_387 = arith.constant 384 : index
        %parallel_loop3A_388 = tpu.vector_load %arg8[%parallel_loop3A_386, %parallel_loop3A_387] {strides = array<i32>} : memref<64x768xf32, #tpu.memory_space<vmem>>, vector<1x16xf32>,
        %parallel_loop3A_389 = vector.shape_cast %parallel_loop3A_388 : vector<1x16xf32> to vector<16xf32>
        %parallel_loop3A_390 = vector.shape_cast %parallel_loop3A_173 : vector<16xf32> to vector<1x16xf32>
        tpu.vector_store %arg8[%parallel_loop3A_386, %parallel_loop3A_387], %parallel_loop3A_390 {strides = array<i32>} : memref<64x768xf32, #tpu.memory_space<vmem>>, vector<1x16xf32>,
        %parallel_loop3A_391 = arith.index_cast %parallel_loop3A_65 : i32 to index
        %parallel_loop3A_392 = arith.constant 400 : index
        %parallel_loop3A_393 = tpu.vector_load %arg8[%parallel_loop3A_391, %parallel_loop3A_392] {strides = array<i32>} : memref<64x768xf32, #tpu.memory_space<vmem>>, vector<1x16xf32>,
        %parallel_loop3A_394 = vector.shape_cast %parallel_loop3A_393 : vector<1x16xf32> to vector<16xf32>
        %parallel_loop3A_395 = vector.shape_cast %parallel_loop3A_177 : vector<16xf32> to vector<1x16xf32>
        tpu.vector_store %arg8[%parallel_loop3A_391, %parallel_loop3A_392], %parallel_loop3A_395 {strides = array<i32>} : memref<64x768xf32, #tpu.memory_space<vmem>>, vector<1x16xf32>,
        %parallel_loop3A_396 = arith.index_cast %parallel_loop3A_65 : i32 to index
        %parallel_loop3A_397 = arith.constant 416 : index
        %parallel_loop3A_398 = tpu.vector_load %arg8[%parallel_loop3A_396, %parallel_loop3A_397] {strides = array<i32>} : memref<64x768xf32, #tpu.memory_space<vmem>>, vector<1x16xf32>,
        %parallel_loop3A_399 = vector.shape_cast %parallel_loop3A_398 : vector<1x16xf32> to vector<16xf32>
        %parallel_loop3A_400 = vector.shape_cast %parallel_loop3A_181 : vector<16xf32> to vector<1x16xf32>
        tpu.vector_store %arg8[%parallel_loop3A_396, %parallel_loop3A_397], %parallel_loop3A_400 {strides = array<i32>} : memref<64x768xf32, #tpu.memory_space<vmem>>, vector<1x16xf32>,
        %parallel_loop3A_401 = arith.index_cast %parallel_loop3A_65 : i32 to index
        %parallel_loop3A_402 = arith.constant 432 : index
        %parallel_loop3A_403 = tpu.vector_load %arg8[%parallel_loop3A_401, %parallel_loop3A_402] {strides = array<i32>} : memref<64x768xf32, #tpu.memory_space<vmem>>, vector<1x16xf32>,
        %parallel_loop3A_404 = vector.shape_cast %parallel_loop3A_403 : vector<1x16xf32> to vector<16xf32>
        %parallel_loop3A_405 = vector.shape_cast %parallel_loop3A_185 : vector<16xf32> to vector<1x16xf32>
        tpu.vector_store %arg8[%parallel_loop3A_401, %parallel_loop3A_402], %parallel_loop3A_405 {strides = array<i32>} : memref<64x768xf32, #tpu.memory_space<vmem>>, vector<1x16xf32>,
        %parallel_loop3A_406 = arith.index_cast %parallel_loop3A_65 : i32 to index
        %parallel_loop3A_407 = arith.constant 448 : index
        %parallel_loop3A_408 = tpu.vector_load %arg8[%parallel_loop3A_406, %parallel_loop3A_407] {strides = array<i32>} : memref<64x768xf32, #tpu.memory_space<vmem>>, vector<1x16xf32>,
        %parallel_loop3A_409 = vector.shape_cast %parallel_loop3A_408 : vector<1x16xf32> to vector<16xf32>
        %parallel_loop3A_410 = vector.shape_cast %parallel_loop3A_189 : vector<16xf32> to vector<1x16xf32>
        tpu.vector_store %arg8[%parallel_loop3A_406, %parallel_loop3A_407], %parallel_loop3A_410 {strides = array<i32>} : memref<64x768xf32, #tpu.memory_space<vmem>>, vector<1x16xf32>,
        %parallel_loop3A_411 = arith.index_cast %parallel_loop3A_65 : i32 to index
        %parallel_loop3A_412 = arith.constant 464 : index
        %parallel_loop3A_413 = tpu.vector_load %arg8[%parallel_loop3A_411, %parallel_loop3A_412] {strides = array<i32>} : memref<64x768xf32, #tpu.memory_space<vmem>>, vector<1x16xf32>,
        %parallel_loop3A_414 = vector.shape_cast %parallel_loop3A_413 : vector<1x16xf32> to vector<16xf32>
        %parallel_loop3A_415 = vector.shape_cast %parallel_loop3A_193 : vector<16xf32> to vector<1x16xf32>
        tpu.vector_store %arg8[%parallel_loop3A_411, %parallel_loop3A_412], %parallel_loop3A_415 {strides = array<i32>} : memref<64x768xf32, #tpu.memory_space<vmem>>, vector<1x16xf32>,
        %parallel_loop3A_416 = arith.index_cast %parallel_loop3A_65 : i32 to index
        %parallel_loop3A_417 = arith.constant 480 : index
        %parallel_loop3A_418 = tpu.vector_load %arg8[%parallel_loop3A_416, %parallel_loop3A_417] {strides = array<i32>} : memref<64x768xf32, #tpu.memory_space<vmem>>, vector<1x16xf32>,
        %parallel_loop3A_419 = vector.shape_cast %parallel_loop3A_418 : vector<1x16xf32> to vector<16xf32>
        %parallel_loop3A_420 = vector.shape_cast %parallel_loop3A_197 : vector<16xf32> to vector<1x16xf32>
        tpu.vector_store %arg8[%parallel_loop3A_416, %parallel_loop3A_417], %parallel_loop3A_420 {strides = array<i32>} : memref<64x768xf32, #tpu.memory_space<vmem>>, vector<1x16xf32>,
        %parallel_loop3A_421 = arith.index_cast %parallel_loop3A_65 : i32 to index
        %parallel_loop3A_422 = arith.constant 496 : index
        %parallel_loop3A_423 = tpu.vector_load %arg8[%parallel_loop3A_421, %parallel_loop3A_422] {strides = array<i32>} : memref<64x768xf32, #tpu.memory_space<vmem>>, vector<1x16xf32>,
        %parallel_loop3A_424 = vector.shape_cast %parallel_loop3A_423 : vector<1x16xf32> to vector<16xf32>
        %parallel_loop3A_425 = vector.shape_cast %parallel_loop3A_201 : vector<16xf32> to vector<1x16xf32>
        tpu.vector_store %arg8[%parallel_loop3A_421, %parallel_loop3A_422], %parallel_loop3A_425 {strides = array<i32>} : memref<64x768xf32, #tpu.memory_space<vmem>>, vector<1x16xf32>,
        %parallel_loop3A_426 = arith.index_cast %parallel_loop3A_65 : i32 to index
        %parallel_loop3A_427 = arith.constant 512 : index
        %parallel_loop3A_428 = tpu.vector_load %arg8[%parallel_loop3A_426, %parallel_loop3A_427] {strides = array<i32>} : memref<64x768xf32, #tpu.memory_space<vmem>>, vector<1x16xf32>,
        %parallel_loop3A_429 = vector.shape_cast %parallel_loop3A_428 : vector<1x16xf32> to vector<16xf32>
        %parallel_loop3A_430 = vector.shape_cast %parallel_loop3A_205 : vector<16xf32> to vector<1x16xf32>
        tpu.vector_store %arg8[%parallel_loop3A_426, %parallel_loop3A_427], %parallel_loop3A_430 {strides = array<i32>} : memref<64x768xf32, #tpu.memory_space<vmem>>, vector<1x16xf32>,
        %parallel_loop3A_431 = arith.index_cast %parallel_loop3A_65 : i32 to index
        %parallel_loop3A_432 = arith.constant 528 : index
        %parallel_loop3A_433 = tpu.vector_load %arg8[%parallel_loop3A_431, %parallel_loop3A_432] {strides = array<i32>} : memref<64x768xf32, #tpu.memory_space<vmem>>, vector<1x16xf32>,
        %parallel_loop3A_434 = vector.shape_cast %parallel_loop3A_433 : vector<1x16xf32> to vector<16xf32>
        %parallel_loop3A_435 = vector.shape_cast %parallel_loop3A_209 : vector<16xf32> to vector<1x16xf32>
        tpu.vector_store %arg8[%parallel_loop3A_431, %parallel_loop3A_432], %parallel_loop3A_435 {strides = array<i32>} : memref<64x768xf32, #tpu.memory_space<vmem>>, vector<1x16xf32>,
        %parallel_loop3A_436 = arith.index_cast %parallel_loop3A_65 : i32 to index
        %parallel_loop3A_437 = arith.constant 544 : index
        %parallel_loop3A_438 = tpu.vector_load %arg8[%parallel_loop3A_436, %parallel_loop3A_437] {strides = array<i32>} : memref<64x768xf32, #tpu.memory_space<vmem>>, vector<1x16xf32>,
        %parallel_loop3A_439 = vector.shape_cast %parallel_loop3A_438 : vector<1x16xf32> to vector<16xf32>
        %parallel_loop3A_440 = vector.shape_cast %parallel_loop3A_213 : vector<16xf32> to vector<1x16xf32>
        tpu.vector_store %arg8[%parallel_loop3A_436, %parallel_loop3A_437], %parallel_loop3A_440 {strides = array<i32>} : memref<64x768xf32, #tpu.memory_space<vmem>>, vector<1x16xf32>,
        %parallel_loop3A_441 = arith.index_cast %parallel_loop3A_65 : i32 to index
        %parallel_loop3A_442 = arith.constant 560 : index
        %parallel_loop3A_443 = tpu.vector_load %arg8[%parallel_loop3A_441, %parallel_loop3A_442] {strides = array<i32>} : memref<64x768xf32, #tpu.memory_space<vmem>>, vector<1x16xf32>,
        %parallel_loop3A_444 = vector.shape_cast %parallel_loop3A_443 : vector<1x16xf32> to vector<16xf32>
        %parallel_loop3A_445 = vector.shape_cast %parallel_loop3A_217 : vector<16xf32> to vector<1x16xf32>
        tpu.vector_store %arg8[%parallel_loop3A_441, %parallel_loop3A_442], %parallel_loop3A_445 {strides = array<i32>} : memref<64x768xf32, #tpu.memory_space<vmem>>, vector<1x16xf32>,
        %parallel_loop3A_446 = arith.index_cast %parallel_loop3A_65 : i32 to index
        %parallel_loop3A_447 = arith.constant 576 : index
        %parallel_loop3A_448 = tpu.vector_load %arg8[%parallel_loop3A_446, %parallel_loop3A_447] {strides = array<i32>} : memref<64x768xf32, #tpu.memory_space<vmem>>, vector<1x16xf32>,
        %parallel_loop3A_449 = vector.shape_cast %parallel_loop3A_448 : vector<1x16xf32> to vector<16xf32>
        %parallel_loop3A_450 = vector.shape_cast %parallel_loop3A_221 : vector<16xf32> to vector<1x16xf32>
        tpu.vector_store %arg8[%parallel_loop3A_446, %parallel_loop3A_447], %parallel_loop3A_450 {strides = array<i32>} : memref<64x768xf32, #tpu.memory_space<vmem>>, vector<1x16xf32>,
        %parallel_loop3A_451 = arith.index_cast %parallel_loop3A_65 : i32 to index
        %parallel_loop3A_452 = arith.constant 592 : index
        %parallel_loop3A_453 = tpu.vector_load %arg8[%parallel_loop3A_451, %parallel_loop3A_452] {strides = array<i32>} : memref<64x768xf32, #tpu.memory_space<vmem>>, vector<1x16xf32>,
        %parallel_loop3A_454 = vector.shape_cast %parallel_loop3A_453 : vector<1x16xf32> to vector<16xf32>
        %parallel_loop3A_455 = vector.shape_cast %parallel_loop3A_225 : vector<16xf32> to vector<1x16xf32>
        tpu.vector_store %arg8[%parallel_loop3A_451, %parallel_loop3A_452], %parallel_loop3A_455 {strides = array<i32>} : memref<64x768xf32, #tpu.memory_space<vmem>>, vector<1x16xf32>,
        %parallel_loop3A_456 = arith.index_cast %parallel_loop3A_65 : i32 to index
        %parallel_loop3A_457 = arith.constant 608 : index
        %parallel_loop3A_458 = tpu.vector_load %arg8[%parallel_loop3A_456, %parallel_loop3A_457] {strides = array<i32>} : memref<64x768xf32, #tpu.memory_space<vmem>>, vector<1x16xf32>,
        %parallel_loop3A_459 = vector.shape_cast %parallel_loop3A_458 : vector<1x16xf32> to vector<16xf32>
        %parallel_loop3A_460 = vector.shape_cast %parallel_loop3A_229 : vector<16xf32> to vector<1x16xf32>
        tpu.vector_store %arg8[%parallel_loop3A_456, %parallel_loop3A_457], %parallel_loop3A_460 {strides = array<i32>} : memref<64x768xf32, #tpu.memory_space<vmem>>, vector<1x16xf32>,
        %parallel_loop3A_461 = arith.index_cast %parallel_loop3A_65 : i32 to index
        %parallel_loop3A_462 = arith.constant 624 : index
        %parallel_loop3A_463 = tpu.vector_load %arg8[%parallel_loop3A_461, %parallel_loop3A_462] {strides = array<i32>} : memref<64x768xf32, #tpu.memory_space<vmem>>, vector<1x16xf32>,
        %parallel_loop3A_464 = vector.shape_cast %parallel_loop3A_463 : vector<1x16xf32> to vector<16xf32>
        %parallel_loop3A_465 = vector.shape_cast %parallel_loop3A_233 : vector<16xf32> to vector<1x16xf32>
        tpu.vector_store %arg8[%parallel_loop3A_461, %parallel_loop3A_462], %parallel_loop3A_465 {strides = array<i32>} : memref<64x768xf32, #tpu.memory_space<vmem>>, vector<1x16xf32>,
        %parallel_loop3A_466 = arith.index_cast %parallel_loop3A_65 : i32 to index
        %parallel_loop3A_467 = arith.constant 640 : index
        %parallel_loop3A_468 = tpu.vector_load %arg8[%parallel_loop3A_466, %parallel_loop3A_467] {strides = array<i32>} : memref<64x768xf32, #tpu.memory_space<vmem>>, vector<1x16xf32>,
        %parallel_loop3A_469 = vector.shape_cast %parallel_loop3A_468 : vector<1x16xf32> to vector<16xf32>
        %parallel_loop3A_470 = vector.shape_cast %parallel_loop3A_237 : vector<16xf32> to vector<1x16xf32>
        tpu.vector_store %arg8[%parallel_loop3A_466, %parallel_loop3A_467], %parallel_loop3A_470 {strides = array<i32>} : memref<64x768xf32, #tpu.memory_space<vmem>>, vector<1x16xf32>,
        %parallel_loop3A_471 = arith.index_cast %parallel_loop3A_65 : i32 to index
        %parallel_loop3A_472 = arith.constant 656 : index
        %parallel_loop3A_473 = tpu.vector_load %arg8[%parallel_loop3A_471, %parallel_loop3A_472] {strides = array<i32>} : memref<64x768xf32, #tpu.memory_space<vmem>>, vector<1x16xf32>,
        %parallel_loop3A_474 = vector.shape_cast %parallel_loop3A_473 : vector<1x16xf32> to vector<16xf32>
        %parallel_loop3A_475 = vector.shape_cast %parallel_loop3A_241 : vector<16xf32> to vector<1x16xf32>
        tpu.vector_store %arg8[%parallel_loop3A_471, %parallel_loop3A_472], %parallel_loop3A_475 {strides = array<i32>} : memref<64x768xf32, #tpu.memory_space<vmem>>, vector<1x16xf32>,
        %parallel_loop3A_476 = arith.index_cast %parallel_loop3A_65 : i32 to index
        %parallel_loop3A_477 = arith.constant 672 : index
        %parallel_loop3A_478 = tpu.vector_load %arg8[%parallel_loop3A_476, %parallel_loop3A_477] {strides = array<i32>} : memref<64x768xf32, #tpu.memory_space<vmem>>, vector<1x16xf32>,
        %parallel_loop3A_479 = vector.shape_cast %parallel_loop3A_478 : vector<1x16xf32> to vector<16xf32>
        %parallel_loop3A_480 = vector.shape_cast %parallel_loop3A_245 : vector<16xf32> to vector<1x16xf32>
        tpu.vector_store %arg8[%parallel_loop3A_476, %parallel_loop3A_477], %parallel_loop3A_480 {strides = array<i32>} : memref<64x768xf32, #tpu.memory_space<vmem>>, vector<1x16xf32>,
        %parallel_loop3A_481 = arith.index_cast %parallel_loop3A_65 : i32 to index
        %parallel_loop3A_482 = arith.constant 688 : index
        %parallel_loop3A_483 = tpu.vector_load %arg8[%parallel_loop3A_481, %parallel_loop3A_482] {strides = array<i32>} : memref<64x768xf32, #tpu.memory_space<vmem>>, vector<1x16xf32>,
        %parallel_loop3A_484 = vector.shape_cast %parallel_loop3A_483 : vector<1x16xf32> to vector<16xf32>
        %parallel_loop3A_485 = vector.shape_cast %parallel_loop3A_249 : vector<16xf32> to vector<1x16xf32>
        tpu.vector_store %arg8[%parallel_loop3A_481, %parallel_loop3A_482], %parallel_loop3A_485 {strides = array<i32>} : memref<64x768xf32, #tpu.memory_space<vmem>>, vector<1x16xf32>,
        %parallel_loop3A_486 = arith.index_cast %parallel_loop3A_65 : i32 to index
        %parallel_loop3A_487 = arith.constant 704 : index
        %parallel_loop3A_488 = tpu.vector_load %arg8[%parallel_loop3A_486, %parallel_loop3A_487] {strides = array<i32>} : memref<64x768xf32, #tpu.memory_space<vmem>>, vector<1x16xf32>,
        %parallel_loop3A_489 = vector.shape_cast %parallel_loop3A_488 : vector<1x16xf32> to vector<16xf32>
        %parallel_loop3A_490 = vector.shape_cast %parallel_loop3A_253 : vector<16xf32> to vector<1x16xf32>
        tpu.vector_store %arg8[%parallel_loop3A_486, %parallel_loop3A_487], %parallel_loop3A_490 {strides = array<i32>} : memref<64x768xf32, #tpu.memory_space<vmem>>, vector<1x16xf32>,
        %parallel_loop3A_491 = arith.index_cast %parallel_loop3A_65 : i32 to index
        %parallel_loop3A_492 = arith.constant 720 : index
        %parallel_loop3A_493 = tpu.vector_load %arg8[%parallel_loop3A_491, %parallel_loop3A_492] {strides = array<i32>} : memref<64x768xf32, #tpu.memory_space<vmem>>, vector<1x16xf32>,
        %parallel_loop3A_494 = vector.shape_cast %parallel_loop3A_493 : vector<1x16xf32> to vector<16xf32>
        %parallel_loop3A_495 = vector.shape_cast %parallel_loop3A_257 : vector<16xf32> to vector<1x16xf32>
        tpu.vector_store %arg8[%parallel_loop3A_491, %parallel_loop3A_492], %parallel_loop3A_495 {strides = array<i32>} : memref<64x768xf32, #tpu.memory_space<vmem>>, vector<1x16xf32>,
        %parallel_loop3A_496 = arith.index_cast %parallel_loop3A_65 : i32 to index
        %parallel_loop3A_497 = arith.constant 736 : index
        %parallel_loop3A_498 = tpu.vector_load %arg8[%parallel_loop3A_496, %parallel_loop3A_497] {strides = array<i32>} : memref<64x768xf32, #tpu.memory_space<vmem>>, vector<1x16xf32>,
        %parallel_loop3A_499 = vector.shape_cast %parallel_loop3A_498 : vector<1x16xf32> to vector<16xf32>
        %parallel_loop3A_500 = vector.shape_cast %parallel_loop3A_261 : vector<16xf32> to vector<1x16xf32>
        tpu.vector_store %arg8[%parallel_loop3A_496, %parallel_loop3A_497], %parallel_loop3A_500 {strides = array<i32>} : memref<64x768xf32, #tpu.memory_space<vmem>>, vector<1x16xf32>,
        %parallel_loop3A_501 = arith.index_cast %parallel_loop3A_65 : i32 to index
        %parallel_loop3A_502 = arith.constant 752 : index
        %parallel_loop3A_503 = tpu.vector_load %arg8[%parallel_loop3A_501, %parallel_loop3A_502] {strides = array<i32>} : memref<64x768xf32, #tpu.memory_space<vmem>>, vector<1x16xf32>,
        %parallel_loop3A_504 = vector.shape_cast %parallel_loop3A_503 : vector<1x16xf32> to vector<16xf32>
        %parallel_loop3A_505 = vector.shape_cast %parallel_loop3A_265 : vector<16xf32> to vector<1x16xf32>
        tpu.vector_store %arg8[%parallel_loop3A_501, %parallel_loop3A_502], %parallel_loop3A_505 {strides = array<i32>} : memref<64x768xf32, #tpu.memory_space<vmem>>, vector<1x16xf32>,
      } {sc.loop_unroll_factor = 2 : i64, sc.parallel_access}
      %mul3A_58 = arith.constant 64 : i32
      %mul3A_59 = arith.muli %add3A_49, %mul3A_58 : i32
      %add3A_60 = arith.addi %mul3A_2, %mul3A_59 : i32
      %dma_start3A_61 = arith.constant 0 : i32
      %dma_start3A_62 = tpu.memref_slice %arg4[%add3A_60, %dma_start3A_61] : memref<65536x768xf32, #tpu.memory_space<hbm>> -> memref<64x768xf32, #tpu.memory_space<hbm>>
      %dma_start3A_63 = arith.constant 0 : i32
      %dma_start3A_64 = tpu.memref_slice %arg4[%add3A_60, %dma_start3A_63] : memref<65536x768xf32, #tpu.memory_space<hbm>> -> memref<64x768xf32, #tpu.memory_space<hbm>>
      tpu.enqueue_dma source(%arg8 : memref<64x768xf32, #tpu.memory_space<vmem>>) target(%dma_start3A_64 : memref<64x768xf32, #tpu.memory_space<hbm>>) target_semaphore(%arg10 : memref<!tpu.dma_semaphore, #tpu.memory_space<semaphore_mem>>)
    }
    %scan3A_17 = arith.constant 16 : i32
    %add3A_18 = arith.constant 1920 : i32
    %add3A_19 = arith.addi %mul3A_2, %add3A_18 : i32
    %dma_wait3A_20 = arith.constant 0 : i32
    %dma_wait3A_21 = tpu.memref_slice %arg4[%add3A_19, %dma_wait3A_20] : memref<65536x768xf32, #tpu.memory_space<hbm>> -> memref<64x768xf32, #tpu.memory_space<hbm>>
    %dma_wait3A_22 = arith.constant 0 : i32
    %dma_wait3A_23 = tpu.memref_slice %arg4[%add3A_19, %dma_wait3A_22] : memref<65536x768xf32, #tpu.memory_space<hbm>> -> memref<64x768xf32, #tpu.memory_space<hbm>>
    tpu.wait_dma2 semaphore(%arg9 : memref<!tpu.dma_semaphore, #tpu.memory_space<semaphore_mem>>) src(%arg7 : memref<64x768xf32, #tpu.memory_space<vmem>>) dst(%dma_wait3A_23 : memref<64x768xf32, #tpu.memory_space<hbm>>)
    %add3A_24 = arith.constant 1984 : i32
    %add3A_25 = arith.addi %mul3A_2, %add3A_24 : i32
    %dma_wait3A_26 = arith.constant 0 : i32
    %dma_wait3A_27 = tpu.memref_slice %arg4[%add3A_25, %dma_wait3A_26] : memref<65536x768xf32, #tpu.memory_space<hbm>> -> memref<64x768xf32, #tpu.memory_space<hbm>>
    %dma_wait3A_28 = arith.constant 0 : i32
    %dma_wait3A_29 = tpu.memref_slice %arg4[%add3A_25, %dma_wait3A_28] : memref<65536x768xf32, #tpu.memory_space<hbm>> -> memref<64x768xf32, #tpu.memory_space<hbm>>
    tpu.wait_dma2 semaphore(%arg10 : memref<!tpu.dma_semaphore, #tpu.memory_space<semaphore_mem>>) src(%arg8 : memref<64x768xf32, #tpu.memory_space<vmem>>) dst(%dma_wait3A_29 : memref<64x768xf32, #tpu.memory_space<hbm>>)
    return
  }
}

</mosaic_0001>

<sc_bundles>
// kernel: kernel.3.cloned.1.call-start
scs
__scs_entry_jumppad:
0x0: {  	(pc) =	sbr.rel $0x88, $3  }
0x1: {  	(tag) =	ssettag $0x0;
	lr =	simm.s32 $0x1  }
0x2: {  	[smem:$0x3F9F] =	sst lr;
	_ =	strace $0xD0000000  }
0x3: {  	_ = 	snop  }
0x4: {  	_ = 	snop  }
0x5: {  	_ = 	snop  }
0x6: {  	_ = 	snop  }
0x7: {  	_ = 	snop  }
__scs_overlays_trampoline_lowered:
0x8: {  	[smem:$0x3FAE] =	sst s0  }
0x9: {  	[smem:$0x3FAF] =	sst s1  }
0xa: {  	[smem:$0x3FB0] =	sst s2  }
0xb: {  	[smem:$0x3FB1] =	sst s3  }
0xc: {  	[smem:$0x3FB2] =	sst s4  }
0xd: {  	[smem:$0x3FB3] =	sst s5  }
0xe: {  	[smem:$0x3FB4] =	sst s6  }
0xf: {  	[smem:$0x3FB5] =	sst s7  }
0x10: {  	[smem:$0x3FB6] =	sst s8  }
0x11: {  	[smem:$0x3FB7] =	sst s9;
	s0 =	simm.s32 @!p0 $0x0  }
0x12: {  	s1 =	sld [smem:$0x3F9D];
	s0 =	simm.s32 @p0 $0x1  }
0x13: {  	[smem:$0x3FB8] =	sst s0;
	s0 =	simm.s32 @!p1 $0x0  }
0x14: {  	s2 =	sld [smem:$0x3F9C];
	s0 =	simm.s32 @p1 $0x1  }
0x15: {  	[smem:$0x3FB9] =	sst s0;
	s0 =	simm.s32 @!p2 $0x0  }
0x16: {  	s3 =	sld [smem:$0x3FDB];
	s0 =	simm.s32 @p2 $0x1  }
0x17: {  	s4 =	simm.s32 $0x1BF5;
	[smem:$0x3FBB] =	sst s0  }
0x18: {  	s0 =	sld [smem:$0x3F9E];
	_ =	swait.ge [sflag:s4], $0x0  }
0x19: {  	s7 =	sld [smem:$0x3F9F]  }
0x1a: {  	s8 =	sadd.s32 $0xFFFFE003, lr  }
0x1b: {  	s9 =	sadd.s32 $0xFFFFFEF7, lr;
	s5 =	simm.s32 $0xFFFFFFFF;
	p2 =	slt.u32 s8, $0xFFFFF086  }
0x1c: {  	p1 =	slt.u32 s9, $0xF7A;
	s5 =	simm.s32 @!p2 $0x0  }
0x1d: {  	s5 =	simm.s32 @p1 $0x1;
	p0 =	seq.s32 s7, s2  }
0x1e: {  	s7 =	smul.u32 @!p0 $0xF7A, s2;
	p2 =	seq.s32 @!p0 s5, $0x0  }
0x1f: {  	s9 =	smul.u32 $0xF7A, s1;
	s8 =	simm.s32 @!p0 $0x1BF5;
	p2 =	por !p2, p0  }
0x20: {  	[sflag:s8] =	ssyncset.s32 @!p0 $0xFFFFF086;
	s6 =	sadd.s32 @!p0 s3, s7;
	s7 =	simm.s32 @!p0 $0x108  }
0x21: {  	s3 =	sadd.s32 s3, s9;
	s6 =	sadd.s32 @!p0 $0x88, s6;
	s7 =	simm.s32 @p2 $0x1082  }
0x22: {  	[simem:s7], [sflag:s8] =	dma.local @!p0 [hbm:s6], $0xF7A  }
0x23: {  	s9 =	sor.u32 $0xD0000000, s2;
	s6 =	simm.s32 $0x108;
	_ =	swait.ge @!p0 [sflag:s8], $0x0  }
0x24: {  	s3 =	sadd.s32 $0x88, s3;
	s6 =	simm.s32 @!p1 $0x1082;
	[sflag:s4] =	ssyncset.s32 $0xFFFFF086  }
0x25: {  	[simem:s6], [sflag:s4] =	dma.local [hbm:s3], $0xF7A  }
0x26: {  	[smem:$0x3F9F] =	sst s1;
	(tag) =	ssettag s2;
	_ =	strace s9  }
0x27: {  	s1 =	sld [smem:$0x3FAF]  }
0x28: {  	s2 =	sld [smem:$0x3FB0]  }
0x29: {  	s4 =	sld [smem:$0x3FB2]  }
0x2a: {  	p0 =	seq.s32 s5, $0x0;
	s5 =	sld [smem:$0x3FB3]  }
0x2b: {  	s6 =	sld [smem:$0x3FB4]  }
0x2c: {  	s7 =	sld [smem:$0x3FB5]  }
0x2d: {  	s3 =	simm.s32 $0x108;
	s8 =	sld [smem:$0x3FB6]  }
0x2e: {  	s3 =	simm.s32 @!p0 $0x1082;
	s9 =	sld [smem:$0x3FB7]  }
0x2f: {  	lr =	sadd.s32 s0, s3;
	s0 =	sld [smem:$0x3FAE]  }
0x30: {  	s3 =	sld [smem:$0x3FB1]  }
0x31: {  	[smem:$0x3FBA] =	sst s10  }
0x32: {  	s10 =	sld [smem:$0x3FB8];
	_ =	sdelay $0x3  }
0x33: {  	p0 =	seq.s32 s10, $0x1;
	s10 =	sld [smem:$0x3FBA];
	_ =	sdelay $0x3  }
0x34: {  	[smem:$0x3FBA] =	sst s10  }
0x35: {  	s10 =	sld [smem:$0x3FB9];
	_ =	sdelay $0x3  }
0x36: {  	p1 =	seq.s32 s10, $0x1;
	s10 =	sld [smem:$0x3FBA];
	_ =	sdelay $0x3  }
0x37: {  	[smem:$0x3FBA] =	sst s10  }
0x38: {  	s10 =	sld [smem:$0x3FBB]  }
0x39: {  	_ = 	snop;
	(pc) =	sbr.ind lr, $3  }
0x3a: {  	_ = 	snop  }
0x3b: {  	_ = 	snop  }
0x3c: {  	p2 =	seq.s32 s10, $0x1;
	s10 =	sld [smem:$0x3FBA]  }
0x3d: {  	_ =	shalt  }
0x3e: {  	_ =	shalt  }
0x3f: {  	_ =	shalt  }
0x40: {  	_ =	shalt  }
0x41: {  	_ =	shalt  }
0x42: {  	_ =	shalt  }
0x43: {  	_ =	shalt  }
0x44: {  	_ =	shalt  }
0x45: {  	_ =	shalt  }
0x46: {  	_ =	shalt  }
0x47: {  	_ =	shalt  }
0x48: {  	_ =	shalt  }
0x49: {  	_ =	shalt  }
0x4a: {  	_ =	shalt  }
0x4b: {  	_ =	shalt  }
0x4c: {  	_ =	shalt  }
0x4d: {  	_ =	shalt  }
0x4e: {  	_ =	shalt  }
0x4f: {  	_ =	shalt  }
0x50: {  	_ =	shalt  }
0x51: {  	_ =	shalt  }
0x52: {  	_ =	shalt  }
0x53: {  	_ =	shalt  }
0x54: {  	_ =	shalt  }
0x55: {  	_ =	shalt  }
0x56: {  	_ =	shalt  }
0x57: {  	_ =	shalt  }
0x58: {  	_ =	shalt  }
0x59: {  	_ =	shalt  }
0x5a: {  	_ =	shalt  }
0x5b: {  	_ =	shalt  }
0x5c: {  	_ =	shalt  }
0x5d: {  	_ =	shalt  }
0x5e: {  	_ =	shalt  }
0x5f: {  	_ =	shalt  }
0x60: {  	_ =	shalt  }
0x61: {  	_ =	shalt  }
0x62: {  	_ =	shalt  }
0x63: {  	_ =	shalt  }
0x64: {  	_ =	shalt  }
0x65: {  	_ =	shalt  }
0x66: {  	_ =	shalt  }
0x67: {  	_ =	shalt  }
0x68: {  	_ =	shalt  }
0x69: {  	_ =	shalt  }
0x6a: {  	_ =	shalt  }
0x6b: {  	_ =	shalt  }
0x6c: {  	_ =	shalt  }
0x6d: {  	_ =	shalt  }
0x6e: {  	_ =	shalt  }
0x6f: {  	_ =	shalt  }
0x70: {  	_ =	shalt  }
0x71: {  	_ =	shalt  }
0x72: {  	_ =	shalt  }
0x73: {  	_ =	shalt  }
0x74: {  	_ =	shalt  }
0x75: {  	_ =	shalt  }
0x76: {  	_ =	shalt  }
0x77: {  	_ =	shalt  }
0x78: {  	_ =	shalt  }
0x79: {  	_ =	shalt  }
0x7a: {  	_ =	shalt  }
0x7b: {  	_ =	shalt  }
0x7c: {  	_ =	shalt  }
0x7d: {  	_ =	shalt  }
0x7e: {  	_ =	shalt  }
0x7f: {  	_ =	shalt  }
0x80: {  	_ =	shalt  }
0x81: {  	_ =	shalt  }
0x82: {  	_ =	shalt  }
0x83: {  	_ =	shalt  }
0x84: {  	_ =	shalt  }
0x85: {  	_ =	shalt  }
0x86: {  	_ =	shalt  }
0x87: {  	_ =	shalt  }
.Lfunc_end0:
.L_simem_size_0:
called_computation_lowered:
.L_overlay_start_0:
0x88: {  	s2 =	sld [smem:$0x3FD9]  }
0x89: {  	s3 =	sld [smem:$0x3FFE];
	_ =	sdelay $0x1  }
0x8a: {  	s1 =	srdreg.scid  }
0x8b: {  	s0 =	sand.u32 $0x1, s1  }
0x8c: {  	s17 =	sshll.u32 s0, $0xA;
	s2 =	sadd.s32 s3, s2  }
0x8d: {  	s2 =	sadd.s32 s2, s17  }
0x8e: {  	[smem:$0x3FC6] =	sst s2  }
0x8f: {  	_ = 	snop  }
0x90: {  	s2 =	sld [smem:$0x3FC8]  }
0x91: {  	s18 =	sld [smem:$0x3FD0];
	(tm) =	ssettm $0x1  }
0x92: {  	s4 =	sld [smem:$0x3FFB];
	_ =	sdelay $0x3  }
0x93: {  	_ =	strace s4  }
0x94: {  	s4 =	sld [smem:$0x3FFC];
	_ =	sdelay $0x3  }
0x95: {  	_ =	strace s4  }
0x96: {  	s4 =	sld [smem:$0x3FFD];
	_ =	sdelay $0x3  }
0x97: {  	_ =	strace s4  }
0x98: {  	_ =	strace $0x8FFFFFFF  }
0x99: {  	s19 =	sld [smem:$0x3FDB];
	_ =	sdelay $0x1  }
0x9a: {  	s5 =	simm.s32 $_scs_section_size  }
0x9b: {  	s6 =	simm.s32 $_size__tile_overlayer_lowered;
	s7 =	simm.s32 $_tile_overlayer_lowered  }
0x9c: {  	s22 =	simm.s32 $0x1BFF;
	s21 =	sshll.u32 s7, $0x1;
	s4 =	sadd.s32 s5, s19  }
0x9d: {  	s8 =	simm.s32 $0x0;
	s20 =	sshll.u32 s6, $0x1;
	s6 =	sadd.s32 s21, s4  }
0x9e: {  	[timem:s8], [sflag:s22] =	dma.local [hbm:s6], s20  }
0x9f: {  	_ =	swait.ge [sflag:s22], s20  }
0xa0: {  	s5 =	ssub.s32 $0x0, s20;
	[sflag:s22] =	ssyncset.done $0x0  }
0xa1: {  	[sflag:s22] =	ssyncadd.s32 s5;
	_ =	sdelay $0x1  }
0xa2: {  	s23 =	simm.s32 $0x1B8B  }
0xa3: {  	_ =	swait.ge [sflag:s23], $0x1  }
0xa4: {  	[sflag:s23] =	ssyncset.done $0x0  }
0xa5: {  	s25 =	simm.s32 $0x1B8E;
	s24 =	sld [smem:$0x3FFE];
	[sflag:s23] =	ssyncadd.s32 $0xFFFFFFFF  }
0xa6: {  	s26 =	simm.s32 $execute0_lowered;
	[smem:$0x3FD2] =	sst s25  }
0xa7: {  	s6 =	sshll.u32 s26, $0x1;
	_ =	strace $0x80000046;
	[dreg:$0x1] =	wrdreg $0xFFFFFFFF  }
0xa8: {  	s28 =	simm.s32 $_size_execute0_lowered;
	s4 =	sadd.s32 s4, s6;
	[dreg:$0x0] =	wrdreg $0x0  }
0xa9: {  	s6 =	sshll.u32 s28, $0x1;
	[dreg:$0x2] =	wrdreg s4  }
0xaa: {  	[dreg:$0x3] =	wrdreg s6  }
0xab: {  	[dreg:$0x4] =	wrdreg $0xC0  }
0xac: {  	_ =	task [dreg:s8], $0x5FFFF  }
0xad: {  	[dreg:$0x1] =	wrdreg $0xFFFFFFFF  }
0xae: {  	[dreg:$0x0] =	wrdreg $0x60  }
0xaf: {  	[dreg:$0x2] =	wrdreg s2  }
0xb0: {  	[dreg:$0x3] =	wrdreg s24  }
0xb1: {  	[dreg:$0x4] =	wrdreg s18  }
0xb2: {  	[dreg:$0x5] =	wrdreg $0x9  }
0xb3: {  	_ =	task.clear_ibuf [dreg:s8], $0x6FFFF;
	_ =	strace $0x90000046  }
0xb4: {  	s29 =	simm.s32 $0x9;
	_ =	strace $0x80000048  }
0xb5: {  	_ =	swait.ge [sflag:s29], $0x1  }
0xb6: {  	[sflag:s29] =	ssyncadd.s32 $0xFFFFFFFF  }
0xb7: {  	_ =	strace $0x90000048  }
0xb8: {  	_ =	sfence  }
0xb9: {  	s30 =	sld [smem:$0x0];
	_ =	sdelay $0x2  }
0xba: {  	s31 =	sshll.u32 s1, $0xD;
	s1 =	sshrl.u32 s1, $0x2  }
0xbb: {  	s3 =	sand.u32 $0x4000, s31;
	s1 =	sadd.s32 s1, s30  }
0xbc: {  	s0 =	sor.u32 s3, s0;
	s1 =	sshll.u32 s1, $0x11  }
0xbd: {  	s0 =	sor.u32 s1, s0  }
0xbe: {  	s0 =	sadd.s32 $0x8F2B, s0  }
0xbf: {  	[sflag:s0] =	ssyncadd.remote.s32 $0x1  }
0xc0: {  	_ =	sfence.sel $0xFFFF  }
0xc1: {  	[dreg:$0x0] =	wrdreg $0xFFFFFFFF;
	(pc) =	sbr.abs _section_cstart, $3  }
0xc2: {  	[dreg:$0x1] =	wrdreg $0xFFFFFFFF  }
0xc3: {  	_ =	task.clear_ibuf [dreg:s8], $0x2FFFF;
	_ =	strace $0x9FFFFFFF  }
0xc4: {  	(tm) =	ssettm $0x7FFFFFFF  }
0xc5: {  	_ =	shalt  }
tec
execute0_lowered:
.L_overlay_start_1:
0x0: {  	(tag) =	ssettag $0x1  }
0x1: {  	s1 =	rddreg [dreg:$0x0];
	s2 =	srdreg.scid  }
0x2: {  	s6 =	rddreg [dreg:$0x1];
	s0 =	stileid.u32  }
0x3: {  	s3 =	rddreg [dreg:$0x2];
	s10 =	simm.s32 $0x3880;
	s11 =	simm.s32 $0xF880  }
0x4: {  	s12 =	simm.s32 $0x1;
	s13 =	simm.s32 $0x0;
	s5 =	sand.u32 $0x1, s2  }
0x5: {  	s4 =	sshll.u32 s0, $0xC;
	s7 =	sshll.u32 s5, $0xB;
	s31 =	ssub.s32 $0x2, s5  }
0x6: {  	s5 =	simm.s32 $0x0;
	s4 =	sor.u32 s7, s4;
	s9 =	sshrl.u32 s31, $0x1  }
0x7: {  	[smem:$0x7FF] =	sst s5;
	s8 =	sshrl.u32 s4, $0x3;
	s7 =	ssub.s32 s31, s9  }
0x8: {  	_ =	strace $0x80000047;
	s9 =	simm.s32 $0x2;
	s6 =	sadd.s32 s8, s6  }
0x9: {  	s7 =	smax.u32 s7, $0x1;
	s8 =	simm.s32 $0x880;
	s6 =	sadd.s32 $0x400, s6  }
.LBB2_1:
0xa: {  	[tilespmem:s8], [sflag:$0x1] =	stream.linear.gather [hbm4b:s1+s5], $0x3000, $0x38;
	[tilespmem:$0x1B880] =	vst v63  }
0xb: {  	_ = 	snop  }
0xc: {  	[tilespmem:s5], [sflag:$0x2] =	stream.linear.gather [hbm4b:s6+s5], $0x800, $0x38;
	[tilespmem:$0x1B880] =	vst v63  }
0xd: {  	_ =	swait.ge [sflag:s12], $0x3000  }
0xe: {  	[sflag:s12] =	ssyncset.done $0x0  }
0xf: {  	[sflag:s12] =	ssyncadd.s32 $0xFFFFD000  }
0x10: {  	_ =	swait.ge [sflag:s9], $0x800  }
0x11: {  	s14 =	simm.s32 $0x41;
	[sflag:s9] =	ssyncset.done $0x0  }
0x12: {  	s15 =	simm.s32 $0x1;
	s16 =	simm.s32 $0x0;
	[sflag:s9] =	ssyncadd.s32 $0xFFFFF800  }
.LBB2_2:
0x13: {  	p0 =	seq.s32 s16, $0x0  }
0x14: {  	s17 =	simm.s32 @!p0 $0x1  }
0x15: {  	_ =	swait.ge @!p0 [sflag:s17], $0xC000  }
0x16: {  	[sflag:s17] =	ssyncset.done @!p0 $0x0  }
0x17: {  	[sflag:s17] =	ssyncadd.s32 @!p0 $0xFFFF4000  }
0x18: {  	v0 =	vld [tilespmem:s15+$0x0];
	_ =	sdelay $0x4  }
0x19: {  	(v2sf) =	vpush v0, $0x0;
	_ =	sdelay $0xe  }
0x1a: {  	s25 =	spop (v2sf)  }
0x1b: {  	s18 =	sshrl.u32 s25, $0x3  }
0x1c: {  	s18 =	smul.u32 $0x6000, s18  }
0x1d: {  	s17 =	sshll.u32 s25, $0x7  }
0x1e: {  	s17 =	sand.u32 $0x380, s17;
	s18 =	sshra.s32 s18, $0x2  }
0x1f: {  	v0 =	vld [tilespmem:s15+$0xFFFFFFFF];
	s17 =	sor.u32 s17, s18  }
0x20: {  	v6 =	vld [tilespmem:s17+$0x880]  }
0x21: {  	v7 =	vld [tilespmem:s17+$0x890]  }
0x22: {  	v10 =	vld [tilespmem:s17+$0x8A0]  }
0x23: {  	v11 =	vld [tilespmem:s17+$0x8B0]  }
0x24: {  	v13 =	vld [tilespmem:s17+$0x8C0]  }
0x25: {  	v14 =	vld [tilespmem:s17+$0x8D0]  }
0x26: {  	v15 =	vld [tilespmem:s17+$0x8E0]  }
0x27: {  	v17 =	vld [tilespmem:s17+$0x8F0]  }
0x28: {  	v19 =	vld [tilespmem:s17+$0xC80]  }
0x29: {  	v21 =	vld [tilespmem:s17+$0xC90]  }
0x2a: {  	v23 =	vld [tilespmem:s17+$0xCA0]  }
0x2b: {  	v25 =	vld [tilespmem:s17+$0xCB0]  }
0x2c: {  	v27 =	vld [tilespmem:s17+$0xCC0]  }
0x2d: {  	v28 =	vld [tilespmem:s17+$0xCD0]  }
0x2e: {  	v30 =	vld [tilespmem:s17+$0xCE0]  }
0x2f: {  	v32 =	vld [tilespmem:s17+$0xCF0]  }
0x30: {  	v33 =	vld [tilespmem:s17+$0x1080]  }
0x31: {  	v35 =	vld [tilespmem:s17+$0x1090]  }
0x32: {  	v38 =	vld [tilespmem:s17+$0x10A0]  }
0x33: {  	v40 =	vld [tilespmem:s17+$0x10B0]  }
0x34: {  	v42 =	vld [tilespmem:s17+$0x10C0]  }
0x35: {  	v43 =	vld [tilespmem:s17+$0x10D0]  }
0x36: {  	v44 =	vld [tilespmem:s17+$0x10E0]  }
0x37: {  	v45 =	vld [tilespmem:s17+$0x10F0]  }
0x38: {  	v47 =	vld [tilespmem:s17+$0x1480]  }
0x39: {  	v41 =	vld [tilespmem:s17+$0x1490]  }
0x3a: {  	v39 =	vld [tilespmem:s17+$0x14A0]  }
0x3b: {  	(v2sf) =	vpush v0, $0x0;
	v36 =	vld [tilespmem:s17+$0x14B0]  }
0x3c: {  	v37 =	vld [tilespmem:s17+$0x14C0]  }
0x3d: {  	v34 =	vld [tilespmem:s17+$0x14D0]  }
0x3e: {  	v31 =	vld [tilespmem:s17+$0x14E0]  }
0x3f: {  	v29 =	vld [tilespmem:s17+$0x14F0]  }
0x40: {  	v26 =	vld [tilespmem:s17+$0x1880]  }
0x41: {  	v24 =	vld [tilespmem:s17+$0x1890]  }
0x42: {  	v22 =	vld [tilespmem:s17+$0x18A0]  }
0x43: {  	v20 =	vld [tilespmem:s17+$0x18B0]  }
0x44: {  	v18 =	vld [tilespmem:s17+$0x18C0]  }
0x45: {  	v16 =	vld [tilespmem:s17+$0x18D0]  }
0x46: {  	v12 =	vld [tilespmem:s17+$0x18E0]  }
0x47: {  	v8 =	vld [tilespmem:s17+$0x18F0]  }
0x48: {  	v0 =	vld [tilespmem:s17+$0x1C80]  }
0x49: {  	s26 =	simm.s32 $0x0;
	v1 =	vld [tilespmem:s17+$0x1C90]  }
0x4a: {  	s18 =	smul.u32 $0x6000, s26;
	v2 =	vld [tilespmem:s17+$0x1CA0];
	s20 =	spop (v2sf)  }
0x4b: {  	v3 =	vld [tilespmem:s17+$0x1CB0];
	s21 =	sshrl.u32 s20, $0x3  }
0x4c: {  	s19 =	simm.s32 $0x80;
	v4 =	vld [tilespmem:s17+$0x1CC0];
	s25 =	sshra.s32 s18, $0x2;
	s21 =	smul.u32 $0x6000, s21  }
0x4d: {  	s26 =	sand.u32 $0x380, s19;
	v5 =	vld [tilespmem:s17+$0x1CD0];
	s22 =	sadd.s32 $0x3880, s25;
	s30 =	sshll.u32 s20, $0x7  }
0x4e: {  	v9 =	vld [tilespmem:s17+$0x1CE0];
	s2 =	sadd.s32 s26, s22;
	s18 =	sand.u32 $0x380, s30;
	s31 =	sshra.s32 s21, $0x2  }
0x4f: {  	v46 =	vld [tilespmem:s17+$0x1CF0];
	[tilespmem:s2+$0x0] =	vst v6;
	s18 =	sor.u32 s18, s31  }
0x50: {  	[tilespmem:s2+$0x10] =	vst v7;
	v6 =	vld [tilespmem:s18+$0x880]  }
0x51: {  	[tilespmem:s2+$0x20] =	vst v10;
	v7 =	vld [tilespmem:s18+$0x890]  }
0x52: {  	[tilespmem:s2+$0x30] =	vst v11;
	v10 =	vld [tilespmem:s18+$0x8A0]  }
0x53: {  	[tilespmem:s2+$0x40] =	vst v13;
	v11 =	vld [tilespmem:s18+$0x8B0]  }
0x54: {  	[tilespmem:s2+$0x50] =	vst v14;
	v13 =	vld [tilespmem:s18+$0x8C0]  }
0x55: {  	[tilespmem:s2+$0x60] =	vst v15;
	v14 =	vld [tilespmem:s18+$0x8D0]  }
0x56: {  	[tilespmem:s2+$0x70] =	vst v17;
	v15 =	vld [tilespmem:s18+$0x8E0]  }
0x57: {  	[tilespmem:s2+$0x400] =	vst v19;
	v17 =	vld [tilespmem:s18+$0x8F0]  }
0x58: {  	[tilespmem:s2+$0x410] =	vst v21;
	v19 =	vld [tilespmem:s18+$0xC80]  }
0x59: {  	[tilespmem:s2+$0x420] =	vst v23;
	v21 =	vld [tilespmem:s18+$0xC90]  }
0x5a: {  	[tilespmem:s2+$0x430] =	vst v25;
	v23 =	vld [tilespmem:s18+$0xCA0]  }
0x5b: {  	[tilespmem:s2+$0x440] =	vst v27;
	v25 =	vld [tilespmem:s18+$0xCB0]  }
0x5c: {  	[tilespmem:s2+$0x450] =	vst v28;
	v27 =	vld [tilespmem:s18+$0xCC0]  }
0x5d: {  	s23 =	sadd.s32 $0x4080, s25;
	[tilespmem:s2+$0x460] =	vst v30;
	v28 =	vld [tilespmem:s18+$0xCD0]  }
0x5e: {  	s24 =	sadd.s32 s26, s23;
	[tilespmem:s2+$0x470] =	vst v32;
	v30 =	vld [tilespmem:s18+$0xCE0]  }
0x5f: {  	[tilespmem:s24+$0x0] =	vst v33;
	v32 =	vld [tilespmem:s18+$0xCF0]  }
0x60: {  	[tilespmem:s24+$0x10] =	vst v35;
	v33 =	vld [tilespmem:s18+$0x1080]  }
0x61: {  	[tilespmem:s24+$0x20] =	vst v38;
	v35 =	vld [tilespmem:s18+$0x1090]  }
0x62: {  	[tilespmem:s24+$0x30] =	vst v40;
	v38 =	vld [tilespmem:s18+$0x10A0]  }
0x63: {  	[tilespmem:s24+$0x40] =	vst v42;
	v40 =	vld [tilespmem:s18+$0x10B0]  }
0x64: {  	s17 =	sshll.u32 s16, $0x1;
	[tilespmem:s24+$0x50] =	vst v43;
	v42 =	vld [tilespmem:s18+$0x10C0]  }
0x65: {  	[tilespmem:s24+$0x60] =	vst v44;
	s20 =	simm.s32 $0x0;
	s30 =	sadd.s32 $0x4480, s25;
	s31 =	simm.s32 $0x0;
	v43 =	vld [tilespmem:s18+$0x10D0]  }
0x66: {  	[tilespmem:s24+$0x70] =	vst v45;
	s29 =	sadd.s32 s26, s30;
	s21 =	sadd.s32 $0x2, s15;
	s28 =	sand.u32 $0x300, s31;
	v44 =	vld [tilespmem:s18+$0x10E0]  }
0x67: {  	[tilespmem:s29+$0x0] =	vst v47;
	v45 =	vld [tilespmem:s18+$0x10F0];
	s22 =	sor.u32 s28, s22;
	s24 =	sor.u32 s28, s23;
	s23 =	sor.u32 s28, s30  }
.LBB2_3:
0x68: {  	v47 =	vld [tilespmem:s21+$0x0];
	[tilespmem:s29+$0x10] =	vst v41  }
0x69: {  	v41 =	vld [tilespmem:s21+$0xFFFFFFFF];
	[tilespmem:s29+$0x20] =	vst v39  }
0x6a: {  	v39 =	vld [tilespmem:s18+$0x1480];
	[tilespmem:s29+$0x30] =	vst v36  }
0x6b: {  	v36 =	vld [tilespmem:s18+$0x1490];
	[tilespmem:s29+$0x40] =	vst v37  }
0x6c: {  	v37 =	vld [tilespmem:s18+$0x14A0];
	[tilespmem:s29+$0x50] =	vst v34  }
0x6d: {  	s31 =	sadd.s32 $0x4880, s25;
	(v2sf) =	vpush v47, $0x0;
	v34 =	vld [tilespmem:s18+$0x14B0];
	[tilespmem:s29+$0x60] =	vst v31  }
0x6e: {  	s30 =	sor.u32 s28, s31;
	s31 =	sadd.s32 s26, s31;
	(v2sf) =	vpush v41, $0x0;
	v31 =	vld [tilespmem:s18+$0x14C0];
	[tilespmem:s29+$0x70] =	vst v29  }
0x6f: {  	v29 =	vld [tilespmem:s18+$0x14D0];
	[tilespmem:s31+$0x0] =	vst v26  }
0x70: {  	v26 =	vld [tilespmem:s18+$0x14E0];
	[tilespmem:s31+$0x10] =	vst v24  }
0x71: {  	v24 =	vld [tilespmem:s18+$0x14F0];
	[tilespmem:s31+$0x20] =	vst v22  }
0x72: {  	v22 =	vld [tilespmem:s18+$0x1880];
	[tilespmem:s31+$0x30] =	vst v20  }
0x73: {  	v20 =	vld [tilespmem:s18+$0x1890];
	[tilespmem:s31+$0x40] =	vst v18  }
0x74: {  	v18 =	vld [tilespmem:s18+$0x18A0];
	[tilespmem:s31+$0x50] =	vst v16  }
0x75: {  	s25 =	sadd.s32 $0x4C80, s25;
	v16 =	vld [tilespmem:s18+$0x18B0];
	[tilespmem:s31+$0x60] =	vst v12  }
0x76: {  	s29 =	sor.u32 s28, s25;
	s25 =	sadd.s32 s26, s25;
	v12 =	vld [tilespmem:s18+$0x18C0];
	[tilespmem:s31+$0x70] =	vst v8  }
0x77: {  	v8 =	vld [tilespmem:s18+$0x18D0];
	[tilespmem:s25+$0x70] =	vst v46  }
0x78: {  	v46 =	vld [tilespmem:s18+$0x18E0];
	[tilespmem:s25+$0x0] =	vst v0  }
0x79: {  	v0 =	vld [tilespmem:s18+$0x18F0];
	[tilespmem:s25+$0x10] =	vst v1  }
0x7a: {  	v48 =	vld [tilespmem:s18+$0x1C80];
	[tilespmem:s25+$0x20] =	vst v2  }
0x7b: {  	v1 =	vld [tilespmem:s18+$0x1C90];
	[tilespmem:s25+$0x30] =	vst v3  }
0x7c: {  	s26 =	spop (v2sf);
	v2 =	vld [tilespmem:s18+$0x1CA0];
	[tilespmem:s25+$0x40] =	vst v4  }
0x7d: {  	s28 =	sshrl.u32 s26, $0x3;
	s31 =	spop (v2sf);
	v3 =	vld [tilespmem:s18+$0x1CB0];
	[tilespmem:s25+$0x50] =	vst v5  }
0x7e: {  	s2 =	sshrl.u32 s31, $0x3;
	s31 =	sshll.u32 s31, $0x7;
	s28 =	smul.u32 $0x6000, s28;
	v4 =	vld [tilespmem:s18+$0x1CC0];
	[tilespmem:s25+$0x60] =	vst v9  }
0x7f: {  	s26 =	sshll.u32 s26, $0x7;
	s25 =	sand.u32 $0x380, s31;
	s2 =	smul.u32 $0x6000, s2;
	v5 =	vld [tilespmem:s18+$0x1CD0]  }
0x80: {  	s26 =	sand.u32 $0x380, s26;
	s28 =	sshra.s32 s28, $0x2;
	v9 =	vld [tilespmem:s18+$0x1CE0]  }
0x81: {  	s2 =	sshra.s32 s2, $0x2;
	s31 =	sor.u32 s26, s28;
	v49 =	vld [tilespmem:s18+$0x1CF0];
	[tilespmem:s22+$0x0] =	vst v6  }
0x82: {  	s18 =	sor.u32 s25, s2;
	v6 =	vld [tilespmem:s31+$0x880];
	[tilespmem:s22+$0x10] =	vst v7  }
0x83: {  	v7 =	vld [tilespmem:s31+$0x890];
	[tilespmem:s22+$0x20] =	vst v10  }
0x84: {  	v10 =	vld [tilespmem:s31+$0x8A0];
	[tilespmem:s22+$0x30] =	vst v11  }
0x85: {  	v11 =	vld [tilespmem:s31+$0x8B0];
	[tilespmem:s22+$0x40] =	vst v13  }
0x86: {  	v13 =	vld [tilespmem:s31+$0x8C0];
	[tilespmem:s22+$0x50] =	vst v14  }
0x87: {  	v14 =	vld [tilespmem:s31+$0x8D0];
	[tilespmem:s22+$0x60] =	vst v15  }
0x88: {  	v15 =	vld [tilespmem:s31+$0x8E0];
	[tilespmem:s22+$0x70] =	vst v17  }
0x89: {  	v17 =	vld [tilespmem:s31+$0x8F0];
	[tilespmem:s22+$0x400] =	vst v19  }
0x8a: {  	v19 =	vld [tilespmem:s31+$0xC80];
	[tilespmem:s22+$0x410] =	vst v21  }
0x8b: {  	v21 =	vld [tilespmem:s31+$0xC90];
	[tilespmem:s22+$0x420] =	vst v23  }
0x8c: {  	v23 =	vld [tilespmem:s31+$0xCA0];
	[tilespmem:s22+$0x430] =	vst v25  }
0x8d: {  	v25 =	vld [tilespmem:s31+$0xCB0];
	[tilespmem:s22+$0x440] =	vst v27  }
0x8e: {  	v27 =	vld [tilespmem:s31+$0xCC0];
	[tilespmem:s22+$0x450] =	vst v28  }
0x8f: {  	v28 =	vld [tilespmem:s31+$0xCD0];
	[tilespmem:s22+$0x460] =	vst v30  }
0x90: {  	v30 =	vld [tilespmem:s31+$0xCE0];
	[tilespmem:s22+$0x470] =	vst v32  }
0x91: {  	v32 =	vld [tilespmem:s31+$0xCF0];
	[tilespmem:s24+$0x0] =	vst v33  }
0x92: {  	v33 =	vld [tilespmem:s31+$0x1080];
	[tilespmem:s24+$0x10] =	vst v35  }
0x93: {  	v35 =	vld [tilespmem:s31+$0x1090];
	[tilespmem:s24+$0x20] =	vst v38  }
0x94: {  	v38 =	vld [tilespmem:s31+$0x10A0];
	[tilespmem:s24+$0x30] =	vst v40  }
0x95: {  	v40 =	vld [tilespmem:s31+$0x10B0];
	[tilespmem:s24+$0x40] =	vst v42  }
0x96: {  	v42 =	vld [tilespmem:s31+$0x10C0];
	[tilespmem:s24+$0x50] =	vst v43  }
0x97: {  	v43 =	vld [tilespmem:s31+$0x10D0];
	[tilespmem:s24+$0x60] =	vst v44  }
0x98: {  	v44 =	vld [tilespmem:s31+$0x10E0];
	[tilespmem:s24+$0x70] =	vst v45  }
0x99: {  	v45 =	vld [tilespmem:s31+$0x10F0];
	[tilespmem:s23+$0x0] =	vst v39  }
0x9a: {  	v47 =	vld [tilespmem:s31+$0x1480];
	[tilespmem:s23+$0x10] =	vst v36  }
0x9b: {  	v41 =	vld [tilespmem:s31+$0x1490];
	[tilespmem:s23+$0x20] =	vst v37  }
0x9c: {  	v39 =	vld [tilespmem:s31+$0x14A0];
	[tilespmem:s23+$0x30] =	vst v34  }
0x9d: {  	v36 =	vld [tilespmem:s31+$0x14B0];
	[tilespmem:s23+$0x40] =	vst v31  }
0x9e: {  	v37 =	vld [tilespmem:s31+$0x14C0];
	[tilespmem:s23+$0x50] =	vst v29  }
0x9f: {  	v34 =	vld [tilespmem:s31+$0x14D0];
	[tilespmem:s23+$0x60] =	vst v26  }
0xa0: {  	v31 =	vld [tilespmem:s31+$0x14E0];
	[tilespmem:s23+$0x70] =	vst v24  }
0xa1: {  	v29 =	vld [tilespmem:s31+$0x14F0];
	[tilespmem:s30+$0x0] =	vst v22  }
0xa2: {  	v26 =	vld [tilespmem:s31+$0x1880];
	[tilespmem:s30+$0x10] =	vst v20  }
0xa3: {  	v24 =	vld [tilespmem:s31+$0x1890];
	[tilespmem:s30+$0x20] =	vst v18  }
0xa4: {  	v22 =	vld [tilespmem:s31+$0x18A0];
	[tilespmem:s30+$0x30] =	vst v16  }
0xa5: {  	v20 =	vld [tilespmem:s31+$0x18B0];
	[tilespmem:s30+$0x40] =	vst v12  }
0xa6: {  	v18 =	vld [tilespmem:s31+$0x18C0];
	[tilespmem:s30+$0x50] =	vst v8  }
0xa7: {  	v16 =	vld [tilespmem:s31+$0x18D0];
	[tilespmem:s30+$0x60] =	vst v46  }
0xa8: {  	v12 =	vld [tilespmem:s31+$0x18E0];
	[tilespmem:s30+$0x70] =	vst v0  }
0xa9: {  	v8 =	vld [tilespmem:s31+$0x18F0];
	[tilespmem:s29+$0x0] =	vst v48  }
0xaa: {  	s20 =	sadd.s32 $0x2, s20;
	v0 =	vld [tilespmem:s31+$0x1C80];
	[tilespmem:s29+$0x10] =	vst v1  }
0xab: {  	p1 =	slt.u32 s20, $0x3E;
	s2 =	sshrl.u32 s20, $0x3;
	v1 =	vld [tilespmem:s31+$0x1C90];
	[tilespmem:s29+$0x20] =	vst v2  }
0xac: {  	s2 =	smul.u32 $0x6000, s2;
	v2 =	vld [tilespmem:s31+$0x1CA0];
	[tilespmem:s29+$0x30] =	vst v3  }
0xad: {  	v3 =	vld [tilespmem:s31+$0x1CB0];
	[tilespmem:s29+$0x40] =	vst v4  }
0xae: {  	s19 =	sadd.s32 $0x100, s19;
	s25 =	sshra.s32 s2, $0x2;
	v4 =	vld [tilespmem:s31+$0x1CC0];
	[tilespmem:s29+$0x50] =	vst v5  }
0xaf: {  	s26 =	sand.u32 $0x380, s19;
	s2 =	sadd.s32 $0xFFFFFF80, s19;
	s22 =	sadd.s32 $0x3880, s25;
	v5 =	vld [tilespmem:s31+$0x1CD0];
	[tilespmem:s29+$0x60] =	vst v9  }
0xb0: {  	s28 =	sand.u32 $0x300, s2;
	s2 =	sadd.s32 s26, s22;
	v9 =	vld [tilespmem:s31+$0x1CE0];
	[tilespmem:s29+$0x70] =	vst v49  }
0xb1: {  	s22 =	sor.u32 s28, s22;
	v46 =	vld [tilespmem:s31+$0x1CF0];
	[tilespmem:s2+$0x0] =	vst v6  }
0xb2: {  	v6 =	vld [tilespmem:s18+$0x880];
	[tilespmem:s2+$0x10] =	vst v7  }
0xb3: {  	v7 =	vld [tilespmem:s18+$0x890];
	[tilespmem:s2+$0x20] =	vst v10  }
0xb4: {  	v10 =	vld [tilespmem:s18+$0x8A0];
	[tilespmem:s2+$0x30] =	vst v11  }
0xb5: {  	v11 =	vld [tilespmem:s18+$0x8B0];
	[tilespmem:s2+$0x40] =	vst v13  }
0xb6: {  	v13 =	vld [tilespmem:s18+$0x8C0];
	[tilespmem:s2+$0x50] =	vst v14  }
0xb7: {  	v14 =	vld [tilespmem:s18+$0x8D0];
	[tilespmem:s2+$0x60] =	vst v15  }
0xb8: {  	v15 =	vld [tilespmem:s18+$0x8E0];
	[tilespmem:s2+$0x70] =	vst v17  }
0xb9: {  	v17 =	vld [tilespmem:s18+$0x8F0];
	[tilespmem:s2+$0x400] =	vst v19  }
0xba: {  	v19 =	vld [tilespmem:s18+$0xC80];
	[tilespmem:s2+$0x410] =	vst v21  }
0xbb: {  	v21 =	vld [tilespmem:s18+$0xC90];
	[tilespmem:s2+$0x420] =	vst v23  }
0xbc: {  	v23 =	vld [tilespmem:s18+$0xCA0];
	[tilespmem:s2+$0x430] =	vst v25  }
0xbd: {  	v25 =	vld [tilespmem:s18+$0xCB0];
	[tilespmem:s2+$0x440] =	vst v27  }
0xbe: {  	v27 =	vld [tilespmem:s18+$0xCC0];
	[tilespmem:s2+$0x450] =	vst v28  }
0xbf: {  	s23 =	sadd.s32 $0x4080, s25;
	v28 =	vld [tilespmem:s18+$0xCD0];
	[tilespmem:s2+$0x460] =	vst v30  }
0xc0: {  	s24 =	sor.u32 s28, s23;
	v30 =	vld [tilespmem:s18+$0xCE0];
	[tilespmem:s2+$0x470] =	vst v32;
	s2 =	sadd.s32 s26, s23  }
0xc1: {  	v32 =	vld [tilespmem:s18+$0xCF0];
	[tilespmem:s2+$0x0] =	vst v33  }
0xc2: {  	v33 =	vld [tilespmem:s18+$0x1080];
	[tilespmem:s2+$0x10] =	vst v35  }
0xc3: {  	v35 =	vld [tilespmem:s18+$0x1090];
	[tilespmem:s2+$0x20] =	vst v38  }
0xc4: {  	v38 =	vld [tilespmem:s18+$0x10A0];
	[tilespmem:s2+$0x30] =	vst v40  }
.Ltmp0:
0xc5: {  	v40 =	vld [tilespmem:s18+$0x10B0];
	[tilespmem:s2+$0x40] =	vst v42;
	(pc) =	sbr.rel @p1 .LBB2_3-.Ltmp0, $4  }
0xc6: {  	v42 =	vld [tilespmem:s18+$0x10C0];
	[tilespmem:s2+$0x50] =	vst v43  }
0xc7: {  	s29 =	sadd.s32 $0x4480, s25;
	v43 =	vld [tilespmem:s18+$0x10D0];
	[tilespmem:s2+$0x60] =	vst v44  }
0xc8: {  	s23 =	sor.u32 s28, s29;
	s29 =	sadd.s32 s26, s29;
	v44 =	vld [tilespmem:s18+$0x10E0];
	[tilespmem:s2+$0x70] =	vst v45  }
0xc9: {  	s21 =	sadd.s32 $0x2, s21;
	v45 =	vld [tilespmem:s18+$0x10F0];
	[tilespmem:s29+$0x0] =	vst v47  }
0xca: {  	v47 =	vld [tilespmem:s18+$0x1480];
	[tilespmem:s29+$0x10] =	vst v41  }
0xcb: {  	v48 =	vld [tilespmem:s18+$0x1490];
	[tilespmem:s29+$0x20] =	vst v39  }
0xcc: {  	v49 =	vld [tilespmem:s18+$0x14A0];
	[tilespmem:s29+$0x30] =	vst v36  }
0xcd: {  	v50 =	vld [tilespmem:s18+$0x14B0];
	[tilespmem:s29+$0x40] =	vst v37  }
0xce: {  	v51 =	vld [tilespmem:s18+$0x14C0];
	[tilespmem:s29+$0x50] =	vst v34  }
0xcf: {  	v52 =	vld [tilespmem:s18+$0x14D0];
	s19 =	sadd.s32 $0x4880, s25;
	[tilespmem:s29+$0x60] =	vst v31  }
0xd0: {  	v31 =	vld [tilespmem:s18+$0x14E0];
	[tilespmem:s29+$0x70] =	vst v29;
	s2 =	sadd.s32 s26, s19  }
0xd1: {  	v29 =	vld [tilespmem:s18+$0x14F0];
	[tilespmem:s2+$0x0] =	vst v26  }
0xd2: {  	v53 =	vld [tilespmem:s18+$0x1C80];
	[tilespmem:s2+$0x10] =	vst v24  }
0xd3: {  	v26 =	vld [tilespmem:s18+$0x1880];
	[tilespmem:s2+$0x20] =	vst v22  }
0xd4: {  	v24 =	vld [tilespmem:s18+$0x1890];
	[tilespmem:s2+$0x30] =	vst v20  }
0xd5: {  	v22 =	vld [tilespmem:s18+$0x18A0];
	[tilespmem:s2+$0x40] =	vst v18  }
0xd6: {  	v20 =	vld [tilespmem:s18+$0x18B0];
	[tilespmem:s2+$0x50] =	vst v16  }
0xd7: {  	s20 =	sadd.s32 $0x4C80, s25;
	v18 =	vld [tilespmem:s18+$0x18C0];
	[tilespmem:s2+$0x60] =	vst v12  }
0xd8: {  	s26 =	sadd.s32 s26, s20;
	v16 =	vld [tilespmem:s18+$0x18D0];
	[tilespmem:s2+$0x70] =	vst v8  }
0xd9: {  	v12 =	vld [tilespmem:s18+$0x18E0];
	[tilespmem:s26+$0x70] =	vst v46  }
0xda: {  	v8 =	vld [tilespmem:s18+$0x18F0];
	[tilespmem:s26+$0x0] =	vst v0  }
0xdb: {  	v0 =	vld [tilespmem:s18+$0x1C90];
	[tilespmem:s26+$0x10] =	vst v1  }
0xdc: {  	v1 =	vld [tilespmem:s18+$0x1CA0];
	[tilespmem:s26+$0x20] =	vst v2  }
0xdd: {  	v2 =	vld [tilespmem:s18+$0x1CB0];
	[tilespmem:s26+$0x30] =	vst v3  }
0xde: {  	v3 =	vld [tilespmem:s18+$0x1CC0];
	[tilespmem:s26+$0x40] =	vst v4  }
0xdf: {  	v4 =	vld [tilespmem:s18+$0x1CD0];
	[tilespmem:s26+$0x50] =	vst v5  }
0xe0: {  	v5 =	vld [tilespmem:s18+$0x1CE0];
	[tilespmem:s26+$0x60] =	vst v9  }
0xe1: {  	v9 =	vld [tilespmem:s18+$0x1CF0];
	[tilespmem:s22+$0x0] =	vst v6  }
0xe2: {  	[tilespmem:s22+$0x10] =	vst v7  }
0xe3: {  	[tilespmem:s22+$0x20] =	vst v10  }
0xe4: {  	[tilespmem:s22+$0x30] =	vst v11  }
0xe5: {  	[tilespmem:s22+$0x40] =	vst v13  }
0xe6: {  	[tilespmem:s22+$0x50] =	vst v14  }
0xe7: {  	[tilespmem:s22+$0x60] =	vst v15  }
0xe8: {  	[tilespmem:s22+$0x70] =	vst v17  }
0xe9: {  	[tilespmem:s22+$0x400] =	vst v19  }
0xea: {  	[tilespmem:s22+$0x410] =	vst v21  }
0xeb: {  	[tilespmem:s22+$0x420] =	vst v23  }
0xec: {  	[tilespmem:s22+$0x430] =	vst v25  }
0xed: {  	[tilespmem:s22+$0x440] =	vst v27  }
0xee: {  	[tilespmem:s22+$0x450] =	vst v28  }
0xef: {  	[tilespmem:s22+$0x460] =	vst v30  }
0xf0: {  	[tilespmem:s22+$0x470] =	vst v32  }
0xf1: {  	[tilespmem:s24+$0x0] =	vst v33  }
0xf2: {  	[tilespmem:s24+$0x10] =	vst v35  }
0xf3: {  	[tilespmem:s24+$0x20] =	vst v38  }
0xf4: {  	[tilespmem:s24+$0x30] =	vst v40  }
0xf5: {  	[tilespmem:s24+$0x40] =	vst v42  }
0xf6: {  	[tilespmem:s24+$0x50] =	vst v43  }
0xf7: {  	[tilespmem:s24+$0x60] =	vst v44  }
0xf8: {  	[tilespmem:s24+$0x70] =	vst v45  }
0xf9: {  	[tilespmem:s23+$0x0] =	vst v47  }
0xfa: {  	[tilespmem:s23+$0x10] =	vst v48  }
0xfb: {  	[tilespmem:s23+$0x20] =	vst v49  }
0xfc: {  	[tilespmem:s23+$0x30] =	vst v50  }
0xfd: {  	[tilespmem:s23+$0x40] =	vst v51  }
0xfe: {  	[tilespmem:s23+$0x50] =	vst v52  }
0xff: {  	[tilespmem:s23+$0x60] =	vst v31  }
0x100: {  	s30 =	sor.u32 s28, s19;
	[tilespmem:s23+$0x70] =	vst v29  }
0x101: {  	[tilespmem:s30+$0x0] =	vst v26  }
0x102: {  	[tilespmem:s30+$0x10] =	vst v24  }
0x103: {  	[tilespmem:s30+$0x20] =	vst v22  }
0x104: {  	[tilespmem:s30+$0x30] =	vst v20  }
0x105: {  	[tilespmem:s30+$0x40] =	vst v18  }
0x106: {  	[tilespmem:s30+$0x50] =	vst v16  }
0x107: {  	[tilespmem:s30+$0x60] =	vst v12  }
0x108: {  	s31 =	sor.u32 s28, s20;
	[tilespmem:s30+$0x70] =	vst v8  }
0x109: {  	[tilespmem:s31+$0x0] =	vst v53  }
0x10a: {  	[tilespmem:s31+$0x10] =	vst v0  }
0x10b: {  	s19 =	sshll.u32 s16, $0x7;
	[tilespmem:s31+$0x20] =	vst v1  }
0x10c: {  	s2 =	sadd.s32 s4, s19;
	[tilespmem:s31+$0x30] =	vst v2  }
0x10d: {  	s2 =	sshrl.u32 s2, $0x3;
	[tilespmem:s31+$0x40] =	vst v3  }
0x10e: {  	s2 =	smul.u32 $0x300, s2;
	[tilespmem:s31+$0x50] =	vst v4  }
0x10f: {  	[tilespmem:s31+$0x60] =	vst v5  }
0x110: {  	s2 =	sadd.s32 s3, s2;
	[tilespmem:s31+$0x70] =	vst v9  }
0x111: {  	[hbm4b:s2+s5] =	stream.linear.scatter [tilespmem:s10], [sflag:$0x1], $0xC000, $0x38;
	[tilespmem:$0x1B880] =	vst v63  }
0x112: {  	s2 =	simm.s32 @!p0 $0x2  }
0x113: {  	_ =	swait.ge @!p0 [sflag:s2], $0xC000  }
0x114: {  	[sflag:s2] =	ssyncset.done @!p0 $0x0  }
0x115: {  	[sflag:s2] =	ssyncadd.s32 @!p0 $0xFFFF4000  }
0x116: {  	v0 =	vld [tilespmem:s14+$0x0];
	_ =	sdelay $0x4  }
0x117: {  	(v2sf) =	vpush v0, $0x0;
	_ =	sdelay $0xe  }
0x118: {  	s20 =	spop (v2sf)  }
0x119: {  	s21 =	sshrl.u32 s20, $0x3  }
0x11a: {  	s18 =	smul.u32 $0x6000, s21  }
0x11b: {  	s2 =	sshll.u32 s20, $0x7  }
0x11c: {  	s2 =	sand.u32 $0x380, s2;
	s18 =	sshra.s32 s18, $0x2  }
0x11d: {  	v0 =	vld [tilespmem:s14+$0xFFFFFFFF];
	s2 =	sor.u32 s2, s18  }
0x11e: {  	v6 =	vld [tilespmem:s2+$0x880]  }
0x11f: {  	v7 =	vld [tilespmem:s2+$0x890]  }
0x120: {  	v10 =	vld [tilespmem:s2+$0x8A0]  }
0x121: {  	v11 =	vld [tilespmem:s2+$0x8B0]  }
0x122: {  	v13 =	vld [tilespmem:s2+$0x8C0]  }
0x123: {  	v14 =	vld [tilespmem:s2+$0x8D0]  }
0x124: {  	v15 =	vld [tilespmem:s2+$0x8E0]  }
0x125: {  	v17 =	vld [tilespmem:s2+$0x8F0]  }
0x126: {  	v19 =	vld [tilespmem:s2+$0xC80]  }
0x127: {  	v21 =	vld [tilespmem:s2+$0xC90]  }
0x128: {  	v23 =	vld [tilespmem:s2+$0xCA0]  }
0x129: {  	v25 =	vld [tilespmem:s2+$0xCB0]  }
0x12a: {  	v27 =	vld [tilespmem:s2+$0xCC0]  }
0x12b: {  	v28 =	vld [tilespmem:s2+$0xCD0]  }
0x12c: {  	v30 =	vld [tilespmem:s2+$0xCE0]  }
0x12d: {  	v54 =	vld [tilespmem:s2+$0xCF0]  }
0x12e: {  	v55 =	vld [tilespmem:s2+$0x1080]  }
0x12f: {  	v56 =	vld [tilespmem:s2+$0x1090]  }
0x130: {  	v57 =	vld [tilespmem:s2+$0x10A0]  }
0x131: {  	v58 =	vld [tilespmem:s2+$0x10B0]  }
0x132: {  	v59 =	vld [tilespmem:s2+$0x10C0]  }
0x133: {  	v60 =	vld [tilespmem:s2+$0x10D0]  }
0x134: {  	v61 =	vld [tilespmem:s2+$0x10E0]  }
0x135: {  	v62 =	vld [tilespmem:s2+$0x10F0]  }
0x136: {  	v63 =	vld [tilespmem:s2+$0x1480]  }
0x137: {  	v41 =	vld [tilespmem:s2+$0x1490]  }
0x138: {  	v39 =	vld [tilespmem:s2+$0x14A0]  }
0x139: {  	(v2sf) =	vpush v0, $0x0;
	v36 =	vld [tilespmem:s2+$0x14B0]  }
0x13a: {  	v37 =	vld [tilespmem:s2+$0x14C0]  }
0x13b: {  	v34 =	vld [tilespmem:s2+$0x14D0]  }
0x13c: {  	v31 =	vld [tilespmem:s2+$0x14E0]  }
0x13d: {  	v29 =	vld [tilespmem:s2+$0x14F0]  }
0x13e: {  	v26 =	vld [tilespmem:s2+$0x1880]  }
0x13f: {  	v24 =	vld [tilespmem:s2+$0x1890]  }
0x140: {  	v22 =	vld [tilespmem:s2+$0x18A0]  }
0x141: {  	v20 =	vld [tilespmem:s2+$0x18B0]  }
0x142: {  	v18 =	vld [tilespmem:s2+$0x18C0]  }
0x143: {  	v16 =	vld [tilespmem:s2+$0x18D0]  }
0x144: {  	v12 =	vld [tilespmem:s2+$0x18E0]  }
0x145: {  	v8 =	vld [tilespmem:s2+$0x18F0]  }
0x146: {  	v0 =	vld [tilespmem:s2+$0x1C80]  }
0x147: {  	s22 =	simm.s32 $0x0;
	v1 =	vld [tilespmem:s2+$0x1C90]  }
0x148: {  	s18 =	smul.u32 $0x6000, s22;
	v2 =	vld [tilespmem:s2+$0x1CA0];
	s23 =	spop (v2sf)  }
0x149: {  	v3 =	vld [tilespmem:s2+$0x1CB0];
	s21 =	sshrl.u32 s23, $0x3  }
0x14a: {  	s19 =	simm.s32 $0x80;
	v4 =	vld [tilespmem:s2+$0x1CC0];
	s25 =	sshra.s32 s18, $0x2;
	s21 =	smul.u32 $0x6000, s21  }
0x14b: {  	s26 =	sand.u32 $0x380, s19;
	v5 =	vld [tilespmem:s2+$0x1CD0];
	s22 =	sadd.s32 $0xF880, s25;
	s24 =	sshll.u32 s23, $0x7  }
0x14c: {  	v9 =	vld [tilespmem:s2+$0x1CE0];
	s31 =	sadd.s32 s26, s22;
	s18 =	sand.u32 $0x380, s24;
	s30 =	sshra.s32 s21, $0x2  }
0x14d: {  	v46 =	vld [tilespmem:s2+$0x1CF0];
	[tilespmem:s31+$0x0] =	vst v6;
	s18 =	sor.u32 s18, s30  }
0x14e: {  	[tilespmem:s31+$0x10] =	vst v7;
	v6 =	vld [tilespmem:s18+$0x880]  }
0x14f: {  	[tilespmem:s31+$0x20] =	vst v10;
	v7 =	vld [tilespmem:s18+$0x890]  }
0x150: {  	[tilespmem:s31+$0x30] =	vst v11;
	v10 =	vld [tilespmem:s18+$0x8A0]  }
0x151: {  	[tilespmem:s31+$0x40] =	vst v13;
	v11 =	vld [tilespmem:s18+$0x8B0]  }
0x152: {  	[tilespmem:s31+$0x50] =	vst v14;
	v13 =	vld [tilespmem:s18+$0x8C0]  }
0x153: {  	[tilespmem:s31+$0x60] =	vst v15;
	v14 =	vld [tilespmem:s18+$0x8D0]  }
0x154: {  	[tilespmem:s31+$0x70] =	vst v17;
	v15 =	vld [tilespmem:s18+$0x8E0]  }
0x155: {  	[tilespmem:s31+$0x400] =	vst v19;
	v17 =	vld [tilespmem:s18+$0x8F0]  }
0x156: {  	[tilespmem:s31+$0x410] =	vst v21;
	v19 =	vld [tilespmem:s18+$0xC80]  }
0x157: {  	[tilespmem:s31+$0x420] =	vst v23;
	v21 =	vld [tilespmem:s18+$0xC90]  }
0x158: {  	[tilespmem:s31+$0x430] =	vst v25;
	v23 =	vld [tilespmem:s18+$0xCA0]  }
0x159: {  	[tilespmem:s31+$0x440] =	vst v27;
	v25 =	vld [tilespmem:s18+$0xCB0]  }
0x15a: {  	[tilespmem:s31+$0x450] =	vst v28;
	v27 =	vld [tilespmem:s18+$0xCC0]  }
0x15b: {  	[tilespmem:s31+$0x460] =	vst v30;
	s23 =	sadd.s32 $0x10080, s25;
	v28 =	vld [tilespmem:s18+$0xCD0]  }
0x15c: {  	[tilespmem:s31+$0x470] =	vst v54;
	s24 =	sadd.s32 s26, s23;
	v30 =	vld [tilespmem:s18+$0xCE0]  }
0x15d: {  	[tilespmem:s24+$0x0] =	vst v55;
	v32 =	vld [tilespmem:s18+$0xCF0]  }
0x15e: {  	[tilespmem:s24+$0x10] =	vst v56;
	v33 =	vld [tilespmem:s18+$0x1080]  }
0x15f: {  	[tilespmem:s24+$0x20] =	vst v57;
	v35 =	vld [tilespmem:s18+$0x1090]  }
0x160: {  	[tilespmem:s24+$0x30] =	vst v58;
	v38 =	vld [tilespmem:s18+$0x10A0]  }
0x161: {  	[tilespmem:s24+$0x40] =	vst v59;
	v40 =	vld [tilespmem:s18+$0x10B0]  }
0x162: {  	s17 =	sor.u32 $0x1, s17;
	[tilespmem:s24+$0x50] =	vst v60;
	v42 =	vld [tilespmem:s18+$0x10C0]  }
0x163: {  	s20 =	simm.s32 $0x0;
	s31 =	sadd.s32 $0x10480, s25;
	[tilespmem:s24+$0x60] =	vst v61;
	s30 =	simm.s32 $0x0;
	v43 =	vld [tilespmem:s18+$0x10D0]  }
0x164: {  	s29 =	sadd.s32 s26, s31;
	[tilespmem:s24+$0x70] =	vst v62;
	s21 =	sadd.s32 $0x2, s14;
	s28 =	sand.u32 $0x300, s30;
	v44 =	vld [tilespmem:s18+$0x10E0]  }
0x165: {  	[tilespmem:s29+$0x0] =	vst v63;
	v45 =	vld [tilespmem:s18+$0x10F0];
	s22 =	sor.u32 s28, s22;
	s24 =	sor.u32 s28, s23;
	s23 =	sor.u32 s28, s31  }
.LBB2_5:
0x166: {  	v47 =	vld [tilespmem:s21+$0x0];
	[tilespmem:s29+$0x10] =	vst v41  }
0x167: {  	v41 =	vld [tilespmem:s21+$0xFFFFFFFF];
	[tilespmem:s29+$0x20] =	vst v39  }
0x168: {  	v39 =	vld [tilespmem:s18+$0x1480];
	[tilespmem:s29+$0x30] =	vst v36  }
0x169: {  	v36 =	vld [tilespmem:s18+$0x1490];
	[tilespmem:s29+$0x40] =	vst v37  }
0x16a: {  	v37 =	vld [tilespmem:s18+$0x14A0];
	[tilespmem:s29+$0x50] =	vst v34  }
0x16b: {  	s2 =	sadd.s32 $0x10880, s25;
	(v2sf) =	vpush v47, $0x0;
	v34 =	vld [tilespmem:s18+$0x14B0];
	[tilespmem:s29+$0x60] =	vst v31  }
0x16c: {  	s30 =	sor.u32 s28, s2;
	s2 =	sadd.s32 s26, s2;
	(v2sf) =	vpush v41, $0x0;
	v31 =	vld [tilespmem:s18+$0x14C0];
	[tilespmem:s29+$0x70] =	vst v29  }
0x16d: {  	v29 =	vld [tilespmem:s18+$0x14D0];
	[tilespmem:s2+$0x0] =	vst v26  }
0x16e: {  	v26 =	vld [tilespmem:s18+$0x14E0];
	[tilespmem:s2+$0x10] =	vst v24  }
0x16f: {  	v24 =	vld [tilespmem:s18+$0x14F0];
	[tilespmem:s2+$0x20] =	vst v22  }
0x170: {  	v22 =	vld [tilespmem:s18+$0x1880];
	[tilespmem:s2+$0x30] =	vst v20  }
0x171: {  	v20 =	vld [tilespmem:s18+$0x1890];
	[tilespmem:s2+$0x40] =	vst v18  }
0x172: {  	v18 =	vld [tilespmem:s18+$0x18A0];
	[tilespmem:s2+$0x50] =	vst v16  }
0x173: {  	s25 =	sadd.s32 $0x10C80, s25;
	v16 =	vld [tilespmem:s18+$0x18B0];
	[tilespmem:s2+$0x60] =	vst v12  }
0x174: {  	s29 =	sor.u32 s28, s25;
	v12 =	vld [tilespmem:s18+$0x18C0];
	[tilespmem:s2+$0x70] =	vst v8;
	s2 =	sadd.s32 s26, s25  }
0x175: {  	v8 =	vld [tilespmem:s18+$0x18D0];
	[tilespmem:s2+$0x70] =	vst v46  }
0x176: {  	v46 =	vld [tilespmem:s18+$0x18E0];
	[tilespmem:s2+$0x0] =	vst v0  }
0x177: {  	v0 =	vld [tilespmem:s18+$0x18F0];
	[tilespmem:s2+$0x10] =	vst v1  }
0x178: {  	v48 =	vld [tilespmem:s18+$0x1C80];
	[tilespmem:s2+$0x20] =	vst v2  }
0x179: {  	v1 =	vld [tilespmem:s18+$0x1C90];
	[tilespmem:s2+$0x30] =	vst v3  }
0x17a: {  	s25 =	spop (v2sf);
	v2 =	vld [tilespmem:s18+$0x1CA0];
	[tilespmem:s2+$0x40] =	vst v4  }
0x17b: {  	s26 =	sshrl.u32 s25, $0x3;
	s28 =	spop (v2sf);
	v3 =	vld [tilespmem:s18+$0x1CB0];
	[tilespmem:s2+$0x50] =	vst v5  }
0x17c: {  	s31 =	sshrl.u32 s28, $0x3;
	s28 =	sshll.u32 s28, $0x7;
	s26 =	smul.u32 $0x6000, s26;
	v4 =	vld [tilespmem:s18+$0x1CC0];
	[tilespmem:s2+$0x60] =	vst v9  }
0x17d: {  	s25 =	sshll.u32 s25, $0x7;
	s2 =	sand.u32 $0x380, s28;
	s28 =	smul.u32 $0x6000, s31;
	v5 =	vld [tilespmem:s18+$0x1CD0]  }
0x17e: {  	s25 =	sand.u32 $0x380, s25;
	s26 =	sshra.s32 s26, $0x2;
	v9 =	vld [tilespmem:s18+$0x1CE0]  }
0x17f: {  	s28 =	sshra.s32 s28, $0x2;
	s31 =	sor.u32 s25, s26;
	v49 =	vld [tilespmem:s18+$0x1CF0];
	[tilespmem:s22+$0x0] =	vst v6  }
0x180: {  	s18 =	sor.u32 s2, s28;
	v6 =	vld [tilespmem:s31+$0x880];
	[tilespmem:s22+$0x10] =	vst v7  }
0x181: {  	v7 =	vld [tilespmem:s31+$0x890];
	[tilespmem:s22+$0x20] =	vst v10  }
0x182: {  	v10 =	vld [tilespmem:s31+$0x8A0];
	[tilespmem:s22+$0x30] =	vst v11  }
0x183: {  	v11 =	vld [tilespmem:s31+$0x8B0];
	[tilespmem:s22+$0x40] =	vst v13  }
0x184: {  	v13 =	vld [tilespmem:s31+$0x8C0];
	[tilespmem:s22+$0x50] =	vst v14  }
0x185: {  	v14 =	vld [tilespmem:s31+$0x8D0];
	[tilespmem:s22+$0x60] =	vst v15  }
0x186: {  	v15 =	vld [tilespmem:s31+$0x8E0];
	[tilespmem:s22+$0x70] =	vst v17  }
0x187: {  	v17 =	vld [tilespmem:s31+$0x8F0];
	[tilespmem:s22+$0x400] =	vst v19  }
0x188: {  	v19 =	vld [tilespmem:s31+$0xC80];
	[tilespmem:s22+$0x410] =	vst v21  }
0x189: {  	v21 =	vld [tilespmem:s31+$0xC90];
	[tilespmem:s22+$0x420] =	vst v23  }
0x18a: {  	v23 =	vld [tilespmem:s31+$0xCA0];
	[tilespmem:s22+$0x430] =	vst v25  }
0x18b: {  	v25 =	vld [tilespmem:s31+$0xCB0];
	[tilespmem:s22+$0x440] =	vst v27  }
0x18c: {  	v27 =	vld [tilespmem:s31+$0xCC0];
	[tilespmem:s22+$0x450] =	vst v28  }
0x18d: {  	v28 =	vld [tilespmem:s31+$0xCD0];
	[tilespmem:s22+$0x460] =	vst v30  }
0x18e: {  	v30 =	vld [tilespmem:s31+$0xCE0];
	[tilespmem:s22+$0x470] =	vst v32  }
0x18f: {  	v32 =	vld [tilespmem:s31+$0xCF0];
	[tilespmem:s24+$0x0] =	vst v33  }
0x190: {  	v33 =	vld [tilespmem:s31+$0x1080];
	[tilespmem:s24+$0x10] =	vst v35  }
0x191: {  	v35 =	vld [tilespmem:s31+$0x1090];
	[tilespmem:s24+$0x20] =	vst v38  }
0x192: {  	v38 =	vld [tilespmem:s31+$0x10A0];
	[tilespmem:s24+$0x30] =	vst v40  }
0x193: {  	v40 =	vld [tilespmem:s31+$0x10B0];
	[tilespmem:s24+$0x40] =	vst v42  }
0x194: {  	v42 =	vld [tilespmem:s31+$0x10C0];
	[tilespmem:s24+$0x50] =	vst v43  }
0x195: {  	v43 =	vld [tilespmem:s31+$0x10D0];
	[tilespmem:s24+$0x60] =	vst v44  }
0x196: {  	v44 =	vld [tilespmem:s31+$0x10E0];
	[tilespmem:s24+$0x70] =	vst v45  }
0x197: {  	v45 =	vld [tilespmem:s31+$0x10F0];
	[tilespmem:s23+$0x0] =	vst v39  }
0x198: {  	v47 =	vld [tilespmem:s31+$0x1480];
	[tilespmem:s23+$0x10] =	vst v36  }
0x199: {  	v41 =	vld [tilespmem:s31+$0x1490];
	[tilespmem:s23+$0x20] =	vst v37  }
0x19a: {  	v39 =	vld [tilespmem:s31+$0x14A0];
	[tilespmem:s23+$0x30] =	vst v34  }
0x19b: {  	v36 =	vld [tilespmem:s31+$0x14B0];
	[tilespmem:s23+$0x40] =	vst v31  }
0x19c: {  	v37 =	vld [tilespmem:s31+$0x14C0];
	[tilespmem:s23+$0x50] =	vst v29  }
0x19d: {  	v34 =	vld [tilespmem:s31+$0x14D0];
	[tilespmem:s23+$0x60] =	vst v26  }
0x19e: {  	v31 =	vld [tilespmem:s31+$0x14E0];
	[tilespmem:s23+$0x70] =	vst v24  }
0x19f: {  	v29 =	vld [tilespmem:s31+$0x14F0];
	[tilespmem:s30+$0x0] =	vst v22  }
0x1a0: {  	v26 =	vld [tilespmem:s31+$0x1880];
	[tilespmem:s30+$0x10] =	vst v20  }
0x1a1: {  	v24 =	vld [tilespmem:s31+$0x1890];
	[tilespmem:s30+$0x20] =	vst v18  }
0x1a2: {  	v22 =	vld [tilespmem:s31+$0x18A0];
	[tilespmem:s30+$0x30] =	vst v16  }
0x1a3: {  	v20 =	vld [tilespmem:s31+$0x18B0];
	[tilespmem:s30+$0x40] =	vst v12  }
0x1a4: {  	v18 =	vld [tilespmem:s31+$0x18C0];
	[tilespmem:s30+$0x50] =	vst v8  }
0x1a5: {  	v16 =	vld [tilespmem:s31+$0x18D0];
	[tilespmem:s30+$0x60] =	vst v46  }
0x1a6: {  	v12 =	vld [tilespmem:s31+$0x18E0];
	[tilespmem:s30+$0x70] =	vst v0  }
0x1a7: {  	v8 =	vld [tilespmem:s31+$0x18F0];
	[tilespmem:s29+$0x0] =	vst v48  }
0x1a8: {  	s20 =	sadd.s32 $0x2, s20;
	v0 =	vld [tilespmem:s31+$0x1C80];
	[tilespmem:s29+$0x10] =	vst v1  }
0x1a9: {  	p0 =	slt.u32 s20, $0x3E;
	s2 =	sshrl.u32 s20, $0x3;
	v1 =	vld [tilespmem:s31+$0x1C90];
	[tilespmem:s29+$0x20] =	vst v2  }
0x1aa: {  	s2 =	smul.u32 $0x6000, s2;
	v2 =	vld [tilespmem:s31+$0x1CA0];
	[tilespmem:s29+$0x30] =	vst v3  }
0x1ab: {  	v3 =	vld [tilespmem:s31+$0x1CB0];
	[tilespmem:s29+$0x40] =	vst v4  }
0x1ac: {  	s19 =	sadd.s32 $0x100, s19;
	s25 =	sshra.s32 s2, $0x2;
	v4 =	vld [tilespmem:s31+$0x1CC0];
	[tilespmem:s29+$0x50] =	vst v5  }
0x1ad: {  	s26 =	sand.u32 $0x380, s19;
	s2 =	sadd.s32 $0xFFFFFF80, s19;
	s22 =	sadd.s32 $0xF880, s25;
	v5 =	vld [tilespmem:s31+$0x1CD0];
	[tilespmem:s29+$0x60] =	vst v9  }
0x1ae: {  	s28 =	sand.u32 $0x300, s2;
	s2 =	sadd.s32 s26, s22;
	v9 =	vld [tilespmem:s31+$0x1CE0];
	[tilespmem:s29+$0x70] =	vst v49  }
0x1af: {  	s22 =	sor.u32 s28, s22;
	v46 =	vld [tilespmem:s31+$0x1CF0];
	[tilespmem:s2+$0x0] =	vst v6  }
0x1b0: {  	v6 =	vld [tilespmem:s18+$0x880];
	[tilespmem:s2+$0x10] =	vst v7  }
0x1b1: {  	v7 =	vld [tilespmem:s18+$0x890];
	[tilespmem:s2+$0x20] =	vst v10  }
0x1b2: {  	v10 =	vld [tilespmem:s18+$0x8A0];
	[tilespmem:s2+$0x30] =	vst v11  }
0x1b3: {  	v11 =	vld [tilespmem:s18+$0x8B0];
	[tilespmem:s2+$0x40] =	vst v13  }
0x1b4: {  	v13 =	vld [tilespmem:s18+$0x8C0];
	[tilespmem:s2+$0x50] =	vst v14  }
0x1b5: {  	v14 =	vld [tilespmem:s18+$0x8D0];
	[tilespmem:s2+$0x60] =	vst v15  }
0x1b6: {  	v15 =	vld [tilespmem:s18+$0x8E0];
	[tilespmem:s2+$0x70] =	vst v17  }
0x1b7: {  	v17 =	vld [tilespmem:s18+$0x8F0];
	[tilespmem:s2+$0x400] =	vst v19  }
0x1b8: {  	v19 =	vld [tilespmem:s18+$0xC80];
	[tilespmem:s2+$0x410] =	vst v21  }
0x1b9: {  	v21 =	vld [tilespmem:s18+$0xC90];
	[tilespmem:s2+$0x420] =	vst v23  }
0x1ba: {  	v23 =	vld [tilespmem:s18+$0xCA0];
	[tilespmem:s2+$0x430] =	vst v25  }
0x1bb: {  	v25 =	vld [tilespmem:s18+$0xCB0];
	[tilespmem:s2+$0x440] =	vst v27  }
0x1bc: {  	v27 =	vld [tilespmem:s18+$0xCC0];
	[tilespmem:s2+$0x450] =	vst v28  }
0x1bd: {  	s23 =	sadd.s32 $0x10080, s25;
	v28 =	vld [tilespmem:s18+$0xCD0];
	[tilespmem:s2+$0x460] =	vst v30  }
0x1be: {  	s24 =	sor.u32 s28, s23;
	v30 =	vld [tilespmem:s18+$0xCE0];
	[tilespmem:s2+$0x470] =	vst v32;
	s2 =	sadd.s32 s26, s23  }
0x1bf: {  	v32 =	vld [tilespmem:s18+$0xCF0];
	[tilespmem:s2+$0x0] =	vst v33  }
0x1c0: {  	v33 =	vld [tilespmem:s18+$0x1080];
	[tilespmem:s2+$0x10] =	vst v35  }
0x1c1: {  	v35 =	vld [tilespmem:s18+$0x1090];
	[tilespmem:s2+$0x20] =	vst v38  }
0x1c2: {  	v38 =	vld [tilespmem:s18+$0x10A0];
	[tilespmem:s2+$0x30] =	vst v40  }
.Ltmp1:
0x1c3: {  	v40 =	vld [tilespmem:s18+$0x10B0];
	[tilespmem:s2+$0x40] =	vst v42;
	(pc) =	sbr.rel @p0 .LBB2_5-.Ltmp1, $4  }
0x1c4: {  	v42 =	vld [tilespmem:s18+$0x10C0];
	[tilespmem:s2+$0x50] =	vst v43  }
0x1c5: {  	s29 =	sadd.s32 $0x10480, s25;
	v43 =	vld [tilespmem:s18+$0x10D0];
	[tilespmem:s2+$0x60] =	vst v44  }
0x1c6: {  	s23 =	sor.u32 s28, s29;
	s29 =	sadd.s32 s26, s29;
	v44 =	vld [tilespmem:s18+$0x10E0];
	[tilespmem:s2+$0x70] =	vst v45  }
0x1c7: {  	s21 =	sadd.s32 $0x2, s21;
	v45 =	vld [tilespmem:s18+$0x10F0];
	[tilespmem:s29+$0x0] =	vst v47  }
0x1c8: {  	v47 =	vld [tilespmem:s18+$0x1480]  }
0x1c9: {  	[tilespmem:s29+$0x10] =	vst v41;
	v41 =	vld [tilespmem:s18+$0x1490]  }
0x1ca: {  	[tilespmem:s29+$0x20] =	vst v39;
	v39 =	vld [tilespmem:s18+$0x14A0]  }
0x1cb: {  	[tilespmem:s29+$0x30] =	vst v36;
	v36 =	vld [tilespmem:s18+$0x14B0]  }
0x1cc: {  	[tilespmem:s29+$0x40] =	vst v37;
	v37 =	vld [tilespmem:s18+$0x14C0]  }
0x1cd: {  	[tilespmem:s29+$0x50] =	vst v34;
	v34 =	vld [tilespmem:s18+$0x14D0]  }
0x1ce: {  	[tilespmem:s29+$0x60] =	vst v31;
	v31 =	vld [tilespmem:s18+$0x14E0]  }
0x1cf: {  	[tilespmem:s29+$0x70] =	vst v29;
	v29 =	vld [tilespmem:s18+$0x14F0]  }
0x1d0: {  	v48 =	vld [tilespmem:s18+$0x1880]  }
0x1d1: {  	v49 =	vld [tilespmem:s18+$0x1890]  }
0x1d2: {  	v50 =	vld [tilespmem:s18+$0x18A0]  }
0x1d3: {  	v51 =	vld [tilespmem:s18+$0x18B0]  }
0x1d4: {  	v52 =	vld [tilespmem:s18+$0x18C0]  }
0x1d5: {  	v53 =	vld [tilespmem:s18+$0x18D0]  }
0x1d6: {  	v54 =	vld [tilespmem:s18+$0x18E0]  }
0x1d7: {  	v55 =	vld [tilespmem:s18+$0x18F0]  }
0x1d8: {  	v56 =	vld [tilespmem:s18+$0x1C80]  }
0x1d9: {  	v57 =	vld [tilespmem:s18+$0x1C90]  }
0x1da: {  	v58 =	vld [tilespmem:s18+$0x1CA0]  }
0x1db: {  	v59 =	vld [tilespmem:s18+$0x1CB0]  }
0x1dc: {  	v60 =	vld [tilespmem:s18+$0x1CC0]  }
0x1dd: {  	v61 =	vld [tilespmem:s18+$0x1CD0]  }
0x1de: {  	v62 =	vld [tilespmem:s18+$0x1CE0]  }
0x1df: {  	v63 =	vld [tilespmem:s18+$0x1CF0];
	[tilespmem:s22+$0x0] =	vst v6  }
0x1e0: {  	[tilespmem:s22+$0x10] =	vst v7  }
0x1e1: {  	[tilespmem:s22+$0x20] =	vst v10  }
0x1e2: {  	[tilespmem:s22+$0x30] =	vst v11  }
0x1e3: {  	[tilespmem:s22+$0x40] =	vst v13  }
0x1e4: {  	[tilespmem:s22+$0x50] =	vst v14  }
0x1e5: {  	[tilespmem:s22+$0x60] =	vst v15  }
0x1e6: {  	[tilespmem:s22+$0x70] =	vst v17  }
0x1e7: {  	[tilespmem:s22+$0x400] =	vst v19  }
0x1e8: {  	[tilespmem:s22+$0x410] =	vst v21  }
0x1e9: {  	[tilespmem:s22+$0x420] =	vst v23  }
0x1ea: {  	[tilespmem:s22+$0x430] =	vst v25  }
0x1eb: {  	[tilespmem:s22+$0x440] =	vst v27  }
0x1ec: {  	[tilespmem:s22+$0x450] =	vst v28  }
0x1ed: {  	[tilespmem:s22+$0x460] =	vst v30  }
0x1ee: {  	[tilespmem:s22+$0x470] =	vst v32  }
0x1ef: {  	[tilespmem:s24+$0x0] =	vst v33  }
0x1f0: {  	[tilespmem:s24+$0x10] =	vst v35  }
0x1f1: {  	[tilespmem:s24+$0x20] =	vst v38  }
0x1f2: {  	s19 =	sadd.s32 $0x10880, s25;
	[tilespmem:s24+$0x30] =	vst v40  }
0x1f3: {  	s2 =	sadd.s32 s26, s19;
	[tilespmem:s24+$0x40] =	vst v42  }
0x1f4: {  	[tilespmem:s2+$0x0] =	vst v26  }
0x1f5: {  	[tilespmem:s2+$0x10] =	vst v24  }
0x1f6: {  	[tilespmem:s2+$0x20] =	vst v22  }
0x1f7: {  	[tilespmem:s2+$0x30] =	vst v20  }
0x1f8: {  	[tilespmem:s2+$0x40] =	vst v18  }
0x1f9: {  	[tilespmem:s2+$0x50] =	vst v16  }
0x1fa: {  	[tilespmem:s2+$0x60] =	vst v12  }
0x1fb: {  	s20 =	sadd.s32 $0x10C80, s25;
	[tilespmem:s2+$0x70] =	vst v8  }
0x1fc: {  	s26 =	sadd.s32 s26, s20;
	[tilespmem:s24+$0x50] =	vst v43  }
0x1fd: {  	[tilespmem:s26+$0x70] =	vst v46  }
0x1fe: {  	[tilespmem:s26+$0x0] =	vst v0  }
0x1ff: {  	[tilespmem:s26+$0x10] =	vst v1  }
0x200: {  	[tilespmem:s26+$0x20] =	vst v2  }
0x201: {  	[tilespmem:s26+$0x30] =	vst v3  }
0x202: {  	[tilespmem:s26+$0x40] =	vst v4  }
0x203: {  	[tilespmem:s26+$0x50] =	vst v5  }
0x204: {  	[tilespmem:s26+$0x60] =	vst v9  }
0x205: {  	[tilespmem:s24+$0x60] =	vst v44  }
0x206: {  	[tilespmem:s24+$0x70] =	vst v45  }
0x207: {  	[tilespmem:s23+$0x0] =	vst v47  }
0x208: {  	[tilespmem:s23+$0x10] =	vst v41  }
0x209: {  	[tilespmem:s23+$0x20] =	vst v39  }
0x20a: {  	[tilespmem:s23+$0x30] =	vst v36  }
0x20b: {  	[tilespmem:s23+$0x40] =	vst v37  }
0x20c: {  	[tilespmem:s23+$0x50] =	vst v34  }
0x20d: {  	[tilespmem:s23+$0x60] =	vst v31  }
0x20e: {  	s29 =	sor.u32 s28, s19;
	[tilespmem:s23+$0x70] =	vst v29  }
0x20f: {  	[tilespmem:s29+$0x0] =	vst v48  }
0x210: {  	[tilespmem:s29+$0x10] =	vst v49  }
0x211: {  	[tilespmem:s29+$0x20] =	vst v50  }
0x212: {  	[tilespmem:s29+$0x30] =	vst v51  }
0x213: {  	[tilespmem:s29+$0x40] =	vst v52  }
0x214: {  	[tilespmem:s29+$0x50] =	vst v53  }
0x215: {  	[tilespmem:s29+$0x60] =	vst v54  }
0x216: {  	s30 =	sor.u32 s28, s20;
	[tilespmem:s29+$0x70] =	vst v55  }
0x217: {  	[tilespmem:s30+$0x0] =	vst v56  }
0x218: {  	[tilespmem:s30+$0x10] =	vst v57  }
0x219: {  	s31 =	sshll.u32 s17, $0x6;
	s16 =	sadd.s32 $0x1, s16;
	[tilespmem:s30+$0x20] =	vst v58  }
0x21a: {  	p0 =	sne.s32 s16, $0x10;
	s2 =	sadd.s32 s4, s31;
	[tilespmem:s30+$0x30] =	vst v59  }
.Ltmp2:
0x21b: {  	s2 =	sshrl.u32 s2, $0x3;
	[tilespmem:s30+$0x40] =	vst v60;
	(pc) =	sbr.rel @p0 .LBB2_2-.Ltmp2, $4  }
0x21c: {  	s2 =	smul.u32 $0x300, s2;
	[tilespmem:s30+$0x50] =	vst v61  }
0x21d: {  	[tilespmem:s30+$0x60] =	vst v62  }
0x21e: {  	s15 =	sadd.s32 $0x80, s15;
	s14 =	sadd.s32 $0x80, s14;
	s2 =	sadd.s32 s3, s2;
	[tilespmem:s30+$0x70] =	vst v63  }
0x21f: {  	[hbm4b:s2+s5] =	stream.linear.scatter [tilespmem:s11], [sflag:$0x2], $0xC000, $0x38;
	[tilespmem:$0x1B880] =	vst v63  }
0x220: {  	s13 =	sadd.s32 $0x1, s13  }
0x221: {  	_ =	swait.ge [sflag:s12], $0xC000;
	p0 =	sne.s32 s13, s7  }
.Ltmp3:
0x222: {  	[sflag:s12] =	ssyncset.done $0x0;
	(pc) =	sbr.rel @p0 .LBB2_1-.Ltmp3, $4  }
0x223: {  	[sflag:s12] =	ssyncadd.s32 $0xFFFF4000  }
0x224: {  	_ =	swait.ge [sflag:s9], $0xC000  }
0x225: {  	[sflag:s9] =	ssyncset.done $0x0  }
0x226: {  	[sflag:s9] =	ssyncadd.s32 $0xFFFF4000  }
0x227: {  	_ =	sfence.sel $0x180000  }
0x228: {  	[bflag:$0x0] =	sbarrier.arrive $0xFFFF  }
0x229: {  	_ =	strace $0x90000047  }
0x22a: {  	[bflag:$0x2] =	sbarrier.arrive $0xFFFF  }
0x22b: {  	p0 =	sne.s32 s0, $0x0;
	s0 =	rddreg [dreg:$0x3]  }
0x22c: {  	s0 =	sadd.s32 @!p0 $0x100000, s0  }
0x22d: {  	[sflag:s0] =	ssyncadd.tile.s32 @!p0 $0x1;
	_ =	shalt  }
.Lfunc_end2:
_tile_overlayer_lowered:
.L_overlay_start_2:
0x22e: {  	(tag) =	ssettag $0x2  }
0x22f: {  	s0 =	rddreg [dreg:$0x0];
	s2 =	stileid.u32  }
0x230: {  	s1 =	rddreg [dreg:$0x1];
	p0 =	sne.s32 s2, $0x0  }
0x231: {  	s3 =	rddreg [dreg:$0x2];
	[bflag:$0x3] =	sbarrier.arrive $0xFFFF;
	s2 =	simm.s32 @!p0 $0x1C03  }
0x232: {  	[timem:s3], [sflag:s2] =	dma.local @!p0 [hbm:s0], s1  }
0x233: {  	s0 =	simm.s32 @!p0 $0x3  }
0x234: {  	_ =	swait.ge @!p0 [sflag:s0], s1  }
0x235: {  	s1 =	ssub.s32 @!p0 $0x0, s1;
	[sflag:s0] =	ssyncset.done @!p0 $0x0  }
0x236: {  	[sflag:s0] =	ssyncadd.s32 @!p0 s1  }
0x237: {  	[bflag:$0x3] =	sbarrier.arrive $0xFFFF  }
0x238: {  	_ =	shalt  }

</sc_bundles>
